<compile_context>
chip_gen: v7x
topology: tpu7x:2x2x1
jax: 0.10.2.dev20260603
libtpu: 0.0.44.dev20260713+nightly
codegen_flags: <defaults>
</compile_context>

<pallas_src>
import functools

import jax
import jax.numpy as jnp
from jax import lax
from jax.experimental import pallas as pl
from jax.experimental.pallas import tpu as pltpu
from jax.experimental.pallas import tpu_sc as plsc

SC_CORES = 2
SC_SUBCORES = 16
SC_LANES = 16

LN2 = 0.6931471805599453
LOG2_POLY = (
    -3.0283174810372375, 6.065830143177264, -5.2641104770701075,
    3.218832837050299, -1.2342631730323361, 0.26685882285942003,
    -0.024825606614202734,
)


def _score_body(emb_c_ref, emb_s_ref, w1_ref, b1_ref, w2_ref, b2_ref,
                w3_ref, out_ref):
    cb, h = emb_c_ref.shape
    spw = emb_s_ref.shape[0]
    e = emb_c_ref[...][:, None, :] + emb_s_ref[...][None, :, :]
    e = e.reshape(cb * spw, h)
    hid = jnp.maximum(
        jnp.dot(e.astype(jnp.bfloat16), w1_ref[...].astype(jnp.bfloat16),
                preferred_element_type=jnp.float32)
        + b1_ref[...], 0.0)
    r = jnp.maximum(
        jnp.dot(hid.astype(jnp.bfloat16), w2_ref[...].astype(jnp.bfloat16),
                preferred_element_type=jnp.float32)
        + b2_ref[...], 0.0) + e
    out_ref[...] = jnp.sum(r * w3_ref[...], axis=1).reshape(cb, spw)


def _score_table(emb_c, emb_s, W1, b1, W2, b2, W3):
    num_clusters, h = emb_c.shape
    spw = emb_s.shape[0]
    grid = 1
    cb = num_clusters // grid
    out = pl.pallas_call(
        _score_body,
        grid=(grid,),
        in_specs=[
            pl.BlockSpec((cb, h), lambda i: (i, 0)),
            pl.BlockSpec((spw, h), lambda i: (0, 0)),
            pl.BlockSpec((h, h), lambda i: (0, 0)),
            pl.BlockSpec((1, h), lambda i: (0, 0)),
            pl.BlockSpec((h, h), lambda i: (0, 0)),
            pl.BlockSpec((1, h), lambda i: (0, 0)),
            pl.BlockSpec((1, h), lambda i: (0, 0)),
        ],
        out_specs=pl.BlockSpec((cb, spw), lambda i: (i, 0)),
        out_shape=jax.ShapeDtypeStruct((num_clusters, spw), jnp.float32),
    )(emb_c, emb_s, W1, b1.reshape(1, h), W2, b2.reshape(1, h),
      W3.reshape(1, h))
    return out


def _ln(x):
    bits = plsc.bitcast(x, jnp.int32)
    exp_i = lax.shift_right_logical(bits, 23) - 127
    mant = plsc.bitcast(
        (bits & jnp.int32(0x007FFFFF)) | jnp.int32(0x3F800000), jnp.float32)
    p = jnp.float32(LOG2_POLY[-1])
    for coef in LOG2_POLY[-2::-1]:
        p = p * mant + jnp.float32(coef)
    return (exp_i.astype(jnp.float32) + p) * jnp.float32(LN2)


def _sc_gather_lsm(score, idx_t, b, spw):
    nc, ns = score.shape
    sub_bits = (ns - 1).bit_length()
    nw = SC_CORES * SC_SUBCORES
    wpt = b // nw
    wblocks = wpt // SC_LANES

    mesh = plsc.VectorSubcoreMesh(core_axis_name="c", subcore_axis_name="s")

    @functools.partial(
        pl.kernel,
        mesh=mesh,
        out_type=jax.ShapeDtypeStruct((spw, b), jnp.float32),
        scratch_types=[
            pltpu.VMEM((nc, ns), jnp.float32),
            pltpu.VMEM((spw, wpt), jnp.int32),
            pltpu.VMEM((spw, wpt), jnp.float32),
            pltpu.SemaphoreType.DMA,
            pltpu.SemaphoreType.DMA,
        ],
        compiler_params=pltpu.CompilerParams(
            needs_layout_passes=False,
            skip_device_barrier=True,
            disable_bounds_checks=True,
            disable_semaphore_checks=True,
        ),
    )
    def gather_kernel(score_hbm, idx_hbm, out_hbm, table_v, idx_v, out_v,
                      sem_t, sem_i):
        wid = lax.axis_index("s") * SC_CORES + lax.axis_index("c")
        base = wid * wpt
        cp_t = pltpu.async_copy(score_hbm, table_v, sem_t)
        cp_i = pltpu.async_copy(
            idx_hbm.at[:, pl.ds(base, wpt)], idx_v, sem_i)
        cp_t.wait()
        cp_i.wait()

        zeros = jnp.zeros((SC_LANES,), jnp.float32)

        @plsc.parallel_loop(0, spw, unroll=1, carry=(zeros,) * wblocks)
        def accs(j, accs):
            new = []
            for wb in range(wblocks):
                col = wb * SC_LANES
                idx = idx_v[j, pl.ds(col, SC_LANES)]
                v = plsc.load_gather(
                    table_v, [lax.shift_right_logical(idx, sub_bits),
                              idx & jnp.int32(ns - 1)])
                out_v[j, pl.ds(col, SC_LANES)] = v
                new.append(accs[wb] + jnp.exp(v))
            return tuple(new)

        shifts = [_ln(s) for s in accs]

        @plsc.parallel_loop(0, spw, unroll=1)
        def _(j):
            for wb in range(wblocks):
                col = wb * SC_LANES
                out_v[j, pl.ds(col, SC_LANES)] = (
                    out_v[j, pl.ds(col, SC_LANES)] - shifts[wb])

        pltpu.sync_copy(out_v, out_hbm.at[:, pl.ds(base, wpt)])

    return gather_kernel(score, idx_t)


def kernel(states, emb_c, emb_s, W1, b1, W2, b2, W3, b3):
    b, spw = states.shape
    score = _score_table(emb_c, emb_s, W1, b1, W2, b2, W3)
    idx_t = states.T.astype(jnp.int32)
    out_t = _sc_gather_lsm(score, idx_t, b, spw)
    return out_t.T

# --- scband reference (transcript-rebuilt; emitter-appended) ---
"""Pipeline reference for scband-factored-hmm-lm-77249281786385 (READ-ONLY COPY).

The authoritative reference and input builder live on the scoring server;
editing this copy changes nothing except your own understanding.
"""

import jax, jax.numpy as jnp
import numpy as np

# FactoredHmmLm core path: factored StateEmbedding lookup (cluster table + per-word-state table)
# followed by start_mlp = ResidualLayer -> Linear(hidden, 1), then log_softmax over the
# states-per-word axis (the `start(states)` / factored-embedding hot path of the module).
SPW = 64          # states_per_word
NUM_CLUSTERS = 128
C = NUM_CLUSTERS * SPW  # 8192 total HMM states
H = 256           # hidden_dim
B = 4096          # batch of words (each word maps to SPW candidate states)


def setup_inputs(seed: int = 0) -> dict:
    key = jax.random.key(seed)
    ks = jax.random.split(key, 8)
    # states: for each word in the batch, its SPW candidate state ids (word2state rows)
    states = jax.random.randint(ks[0], (B, SPW), 0, C)
    # factored state embedding: emb(s) = emb_cluster[s // SPW] + emb_sub[s % SPW]
    emb_c = jax.random.normal(ks[1], (NUM_CLUSTERS, H), dtype=jnp.float32) * 0.02
    emb_s = jax.random.normal(ks[2], (SPW, H), dtype=jnp.float32) * 0.02
    # start_mlp: ResidualLayer(H->H) then Linear(H->1)
    W1 = jax.random.normal(ks[3], (H, H), dtype=jnp.float32) * 0.02
    b1 = jnp.zeros((H,), dtype=jnp.float32)
    W2 = jax.random.normal(ks[4], (H, H), dtype=jnp.float32) * 0.02
    b2 = jnp.zeros((H,), dtype=jnp.float32)
    W3 = jax.random.normal(ks[5], (H, 1), dtype=jnp.float32) * 0.02
    b3 = jnp.zeros((1,), dtype=jnp.float32)
    return {"states": states, "emb_c": emb_c, "emb_s": emb_s,
            "W1": W1, "b1": b1, "W2": W2, "b2": b2, "W3": W3, "b3": b3}


def reference(states, emb_c, emb_s, W1, b1, W2, b2, W3, b3):
    # StateEmbedding (factored): gather from both factor tables and sum
    e = jnp.take(emb_c, states // SPW, axis=0) + jnp.take(emb_s, states % SPW, axis=0)
    # ResidualLayerOld: relu(lin1) -> relu(lin2) + residual  (dropout is identity in eval)
    h = jax.nn.relu(e @ W1 + b1)
    r = jax.nn.relu(h @ W2 + b2) + e
    # Linear(H -> 1), squeeze, log_softmax over candidate states per word
    logits = (r @ W3 + b3).squeeze(-1)
    return jax.nn.log_softmax(logits, axis=-1)

if __name__ == "__main__":
    import jax
    _d = setup_inputs()
    print(jax.jit(kernel)(*tuple(_d.values())))

</pallas_src>

<mosaic_0001>
#map = affine_map<(d0, d1) -> (0, 0)>
module attributes {stable_mosaic.version = 14 : i64} {
  func.func @gather_kernel(%arg0: i32, %arg1: i32, %arg2: memref<128x64xf32, #tpu.memory_space<hbm>>, %arg3: memref<64x4096xi32, #tpu.memory_space<hbm>>, %arg4: memref<64x4096xf32, #tpu.memory_space<hbm>>, %arg5: memref<128x64xf32, #tpu.memory_space<vmem>>, %arg6: memref<64x128xi32, #tpu.memory_space<vmem>>, %arg7: memref<64x128xf32, #tpu.memory_space<vmem>>, %arg8: memref<!tpu.dma_semaphore, #tpu.memory_space<semaphore_mem>>, %arg9: memref<!tpu.dma_semaphore, #tpu.memory_space<semaphore_mem>>) attributes {dimension_semantics = [#tpu.dimension_semantics<core_parallel>, #tpu.dimension_semantics<subcore_parallel>], iteration_bounds = array<i64: 2, 16>, scalar_prefetch = 0 : i64, scratch_operands = 5 : i64, tpu.core_type = #tpu.core_type<sc_vector_subcore>, window_params = [{transform_indices = #map}, {transform_indices = #map}, {transform_indices = #map}]} {
    %mul3A = arith.constant 2 : i32
    %mul3A_0 = arith.muli %arg1, %mul3A : i32
    %add3A = arith.addi %mul3A_0, %arg0 : i32
    %mul3A_1 = arith.constant 128 : i32
    %mul3A_2 = arith.muli %add3A, %mul3A_1 : i32
    tpu.enqueue_dma source(%arg2 : memref<128x64xf32, #tpu.memory_space<hbm>>) target(%arg5 : memref<128x64xf32, #tpu.memory_space<vmem>>) target_semaphore(%arg8 : memref<!tpu.dma_semaphore, #tpu.memory_space<semaphore_mem>>)
    %dma_start3A = arith.constant 0 : i32
    %dma_start3A_3 = tpu.memref_slice %arg3[%dma_start3A, %mul3A_2] : memref<64x4096xi32, #tpu.memory_space<hbm>> -> memref<64x128xi32, #tpu.memory_space<hbm>>
    %dma_start3A_4 = arith.constant 0 : i32
    %dma_start3A_5 = tpu.memref_slice %arg3[%dma_start3A_4, %mul3A_2] : memref<64x4096xi32, #tpu.memory_space<hbm>> -> memref<64x128xi32, #tpu.memory_space<hbm>>
    tpu.enqueue_dma source(%dma_start3A_5 : memref<64x128xi32, #tpu.memory_space<hbm>>) target(%arg6 : memref<64x128xi32, #tpu.memory_space<vmem>>) target_semaphore(%arg9 : memref<!tpu.dma_semaphore, #tpu.memory_space<semaphore_mem>>)
    tpu.wait_dma2 semaphore(%arg8 : memref<!tpu.dma_semaphore, #tpu.memory_space<semaphore_mem>>) src(%arg2 : memref<128x64xf32, #tpu.memory_space<hbm>>) dst(%arg5 : memref<128x64xf32, #tpu.memory_space<vmem>>)
    %dma_wait3A = arith.constant 0 : i32
    %dma_wait3A_6 = tpu.memref_slice %arg3[%dma_wait3A, %mul3A_2] : memref<64x4096xi32, #tpu.memory_space<hbm>> -> memref<64x128xi32, #tpu.memory_space<hbm>>
    %dma_wait3A_7 = arith.constant 0 : i32
    %dma_wait3A_8 = tpu.memref_slice %arg3[%dma_wait3A_7, %mul3A_2] : memref<64x4096xi32, #tpu.memory_space<hbm>> -> memref<64x128xi32, #tpu.memory_space<hbm>>
    tpu.wait_dma2 semaphore(%arg9 : memref<!tpu.dma_semaphore, #tpu.memory_space<semaphore_mem>>) src(%dma_wait3A_8 : memref<64x128xi32, #tpu.memory_space<hbm>>) dst(%arg6 : memref<64x128xi32, #tpu.memory_space<vmem>>)
    %broadcast_in_dim3A = arith.constant 0.000000e+00 : f32
    %broadcast_in_dim3A_9 = vector.broadcast %broadcast_in_dim3A : f32 to vector<16xf32>
    %parallel_loop3A = arith.constant 0 : i32
    %parallel_loop3A_10 = arith.constant 64 : i32
    %parallel_loop3A_11 = arith.constant 1 : i32
    %parallel_loop3A_12:8 = scf.for %parallel_loop3A_370 = %parallel_loop3A to %parallel_loop3A_10 step %parallel_loop3A_11 iter_args(%parallel_loop3A_371 = %broadcast_in_dim3A_9, %parallel_loop3A_372 = %broadcast_in_dim3A_9, %parallel_loop3A_373 = %broadcast_in_dim3A_9, %parallel_loop3A_374 = %broadcast_in_dim3A_9, %parallel_loop3A_375 = %broadcast_in_dim3A_9, %parallel_loop3A_376 = %broadcast_in_dim3A_9, %parallel_loop3A_377 = %broadcast_in_dim3A_9, %parallel_loop3A_378 = %broadcast_in_dim3A_9) -> (vector<16xf32>, vector<16xf32>, vector<16xf32>, vector<16xf32>, vector<16xf32>, vector<16xf32>, vector<16xf32>, vector<16xf32>)  : i32 {
      %parallel_loop3A_379 = arith.index_cast %parallel_loop3A_370 : i32 to index
      %parallel_loop3A_380 = arith.constant 0 : index
      %parallel_loop3A_381 = tpu.vector_load %arg6[%parallel_loop3A_379, %parallel_loop3A_380] {strides = array<i32>} : memref<64x128xi32, #tpu.memory_space<vmem>>, vector<16xi32>,
      %parallel_loop3A_382 = arith.constant 6 : i32
      %parallel_loop3A_383 = vector.broadcast %parallel_loop3A_382 : i32 to vector<16xi32>
      %parallel_loop3A_384 = arith.shrui %parallel_loop3A_381, %parallel_loop3A_383 : vector<16xi32>
      %parallel_loop3A_385 = arith.constant 63 : i32
      %parallel_loop3A_386 = vector.broadcast %parallel_loop3A_385 : i32 to vector<16xi32>
      %parallel_loop3A_387 = arith.andi %parallel_loop3A_381, %parallel_loop3A_386 : vector<16xi32>
      %parallel_loop3A_388 = tpu.vector_load_idx %arg5[%parallel_loop3A_384, %parallel_loop3A_387] : memref<128x64xf32, #tpu.memory_space<vmem>>[vector<16xi32>, vector<16xi32>], vector<16xf32>,
      %parallel_loop3A_389 = arith.index_cast %parallel_loop3A_370 : i32 to index
      %parallel_loop3A_390 = arith.constant 0 : index
      %parallel_loop3A_391 = tpu.vector_load %arg7[%parallel_loop3A_389, %parallel_loop3A_390] {strides = array<i32>} : memref<64x128xf32, #tpu.memory_space<vmem>>, vector<16xf32>,
      tpu.vector_store %arg7[%parallel_loop3A_389, %parallel_loop3A_390], %parallel_loop3A_388 {strides = array<i32>} : memref<64x128xf32, #tpu.memory_space<vmem>>, vector<16xf32>,
      %parallel_loop3A_392 = math.exp %parallel_loop3A_388 : vector<16xf32>
      %parallel_loop3A_393 = arith.addf %parallel_loop3A_371, %parallel_loop3A_392 : vector<16xf32>
      %parallel_loop3A_394 = arith.index_cast %parallel_loop3A_370 : i32 to index
      %parallel_loop3A_395 = arith.constant 16 : index
      %parallel_loop3A_396 = tpu.vector_load %arg6[%parallel_loop3A_394, %parallel_loop3A_395] {strides = array<i32>} : memref<64x128xi32, #tpu.memory_space<vmem>>, vector<16xi32>,
      %parallel_loop3A_397 = arith.constant 6 : i32
      %parallel_loop3A_398 = vector.broadcast %parallel_loop3A_397 : i32 to vector<16xi32>
      %parallel_loop3A_399 = arith.shrui %parallel_loop3A_396, %parallel_loop3A_398 : vector<16xi32>
      %parallel_loop3A_400 = arith.constant 63 : i32
      %parallel_loop3A_401 = vector.broadcast %parallel_loop3A_400 : i32 to vector<16xi32>
      %parallel_loop3A_402 = arith.andi %parallel_loop3A_396, %parallel_loop3A_401 : vector<16xi32>
      %parallel_loop3A_403 = tpu.vector_load_idx %arg5[%parallel_loop3A_399, %parallel_loop3A_402] : memref<128x64xf32, #tpu.memory_space<vmem>>[vector<16xi32>, vector<16xi32>], vector<16xf32>,
      %parallel_loop3A_404 = arith.index_cast %parallel_loop3A_370 : i32 to index
      %parallel_loop3A_405 = arith.constant 16 : index
      %parallel_loop3A_406 = tpu.vector_load %arg7[%parallel_loop3A_404, %parallel_loop3A_405] {strides = array<i32>} : memref<64x128xf32, #tpu.memory_space<vmem>>, vector<16xf32>,
      tpu.vector_store %arg7[%parallel_loop3A_404, %parallel_loop3A_405], %parallel_loop3A_403 {strides = array<i32>} : memref<64x128xf32, #tpu.memory_space<vmem>>, vector<16xf32>,
      %parallel_loop3A_407 = math.exp %parallel_loop3A_403 : vector<16xf32>
      %parallel_loop3A_408 = arith.addf %parallel_loop3A_372, %parallel_loop3A_407 : vector<16xf32>
      %parallel_loop3A_409 = arith.index_cast %parallel_loop3A_370 : i32 to index
      %parallel_loop3A_410 = arith.constant 32 : index
      %parallel_loop3A_411 = tpu.vector_load %arg6[%parallel_loop3A_409, %parallel_loop3A_410] {strides = array<i32>} : memref<64x128xi32, #tpu.memory_space<vmem>>, vector<16xi32>,
      %parallel_loop3A_412 = arith.constant 6 : i32
      %parallel_loop3A_413 = vector.broadcast %parallel_loop3A_412 : i32 to vector<16xi32>
      %parallel_loop3A_414 = arith.shrui %parallel_loop3A_411, %parallel_loop3A_413 : vector<16xi32>
      %parallel_loop3A_415 = arith.constant 63 : i32
      %parallel_loop3A_416 = vector.broadcast %parallel_loop3A_415 : i32 to vector<16xi32>
      %parallel_loop3A_417 = arith.andi %parallel_loop3A_411, %parallel_loop3A_416 : vector<16xi32>
      %parallel_loop3A_418 = tpu.vector_load_idx %arg5[%parallel_loop3A_414, %parallel_loop3A_417] : memref<128x64xf32, #tpu.memory_space<vmem>>[vector<16xi32>, vector<16xi32>], vector<16xf32>,
      %parallel_loop3A_419 = arith.index_cast %parallel_loop3A_370 : i32 to index
      %parallel_loop3A_420 = arith.constant 32 : index
      %parallel_loop3A_421 = tpu.vector_load %arg7[%parallel_loop3A_419, %parallel_loop3A_420] {strides = array<i32>} : memref<64x128xf32, #tpu.memory_space<vmem>>, vector<16xf32>,
      tpu.vector_store %arg7[%parallel_loop3A_419, %parallel_loop3A_420], %parallel_loop3A_418 {strides = array<i32>} : memref<64x128xf32, #tpu.memory_space<vmem>>, vector<16xf32>,
      %parallel_loop3A_422 = math.exp %parallel_loop3A_418 : vector<16xf32>
      %parallel_loop3A_423 = arith.addf %parallel_loop3A_373, %parallel_loop3A_422 : vector<16xf32>
      %parallel_loop3A_424 = arith.index_cast %parallel_loop3A_370 : i32 to index
      %parallel_loop3A_425 = arith.constant 48 : index
      %parallel_loop3A_426 = tpu.vector_load %arg6[%parallel_loop3A_424, %parallel_loop3A_425] {strides = array<i32>} : memref<64x128xi32, #tpu.memory_space<vmem>>, vector<16xi32>,
      %parallel_loop3A_427 = arith.constant 6 : i32
      %parallel_loop3A_428 = vector.broadcast %parallel_loop3A_427 : i32 to vector<16xi32>
      %parallel_loop3A_429 = arith.shrui %parallel_loop3A_426, %parallel_loop3A_428 : vector<16xi32>
      %parallel_loop3A_430 = arith.constant 63 : i32
      %parallel_loop3A_431 = vector.broadcast %parallel_loop3A_430 : i32 to vector<16xi32>
      %parallel_loop3A_432 = arith.andi %parallel_loop3A_426, %parallel_loop3A_431 : vector<16xi32>
      %parallel_loop3A_433 = tpu.vector_load_idx %arg5[%parallel_loop3A_429, %parallel_loop3A_432] : memref<128x64xf32, #tpu.memory_space<vmem>>[vector<16xi32>, vector<16xi32>], vector<16xf32>,
      %parallel_loop3A_434 = arith.index_cast %parallel_loop3A_370 : i32 to index
      %parallel_loop3A_435 = arith.constant 48 : index
      %parallel_loop3A_436 = tpu.vector_load %arg7[%parallel_loop3A_434, %parallel_loop3A_435] {strides = array<i32>} : memref<64x128xf32, #tpu.memory_space<vmem>>, vector<16xf32>,
      tpu.vector_store %arg7[%parallel_loop3A_434, %parallel_loop3A_435], %parallel_loop3A_433 {strides = array<i32>} : memref<64x128xf32, #tpu.memory_space<vmem>>, vector<16xf32>,
      %parallel_loop3A_437 = math.exp %parallel_loop3A_433 : vector<16xf32>
      %parallel_loop3A_438 = arith.addf %parallel_loop3A_374, %parallel_loop3A_437 : vector<16xf32>
      %parallel_loop3A_439 = arith.index_cast %parallel_loop3A_370 : i32 to index
      %parallel_loop3A_440 = arith.constant 64 : index
      %parallel_loop3A_441 = tpu.vector_load %arg6[%parallel_loop3A_439, %parallel_loop3A_440] {strides = array<i32>} : memref<64x128xi32, #tpu.memory_space<vmem>>, vector<16xi32>,
      %parallel_loop3A_442 = arith.constant 6 : i32
      %parallel_loop3A_443 = vector.broadcast %parallel_loop3A_442 : i32 to vector<16xi32>
      %parallel_loop3A_444 = arith.shrui %parallel_loop3A_441, %parallel_loop3A_443 : vector<16xi32>
      %parallel_loop3A_445 = arith.constant 63 : i32
      %parallel_loop3A_446 = vector.broadcast %parallel_loop3A_445 : i32 to vector<16xi32>
      %parallel_loop3A_447 = arith.andi %parallel_loop3A_441, %parallel_loop3A_446 : vector<16xi32>
      %parallel_loop3A_448 = tpu.vector_load_idx %arg5[%parallel_loop3A_444, %parallel_loop3A_447] : memref<128x64xf32, #tpu.memory_space<vmem>>[vector<16xi32>, vector<16xi32>], vector<16xf32>,
      %parallel_loop3A_449 = arith.index_cast %parallel_loop3A_370 : i32 to index
      %parallel_loop3A_450 = arith.constant 64 : index
      %parallel_loop3A_451 = tpu.vector_load %arg7[%parallel_loop3A_449, %parallel_loop3A_450] {strides = array<i32>} : memref<64x128xf32, #tpu.memory_space<vmem>>, vector<16xf32>,
      tpu.vector_store %arg7[%parallel_loop3A_449, %parallel_loop3A_450], %parallel_loop3A_448 {strides = array<i32>} : memref<64x128xf32, #tpu.memory_space<vmem>>, vector<16xf32>,
      %parallel_loop3A_452 = math.exp %parallel_loop3A_448 : vector<16xf32>
      %parallel_loop3A_453 = arith.addf %parallel_loop3A_375, %parallel_loop3A_452 : vector<16xf32>
      %parallel_loop3A_454 = arith.index_cast %parallel_loop3A_370 : i32 to index
      %parallel_loop3A_455 = arith.constant 80 : index
      %parallel_loop3A_456 = tpu.vector_load %arg6[%parallel_loop3A_454, %parallel_loop3A_455] {strides = array<i32>} : memref<64x128xi32, #tpu.memory_space<vmem>>, vector<16xi32>,
      %parallel_loop3A_457 = arith.constant 6 : i32
      %parallel_loop3A_458 = vector.broadcast %parallel_loop3A_457 : i32 to vector<16xi32>
      %parallel_loop3A_459 = arith.shrui %parallel_loop3A_456, %parallel_loop3A_458 : vector<16xi32>
      %parallel_loop3A_460 = arith.constant 63 : i32
      %parallel_loop3A_461 = vector.broadcast %parallel_loop3A_460 : i32 to vector<16xi32>
      %parallel_loop3A_462 = arith.andi %parallel_loop3A_456, %parallel_loop3A_461 : vector<16xi32>
      %parallel_loop3A_463 = tpu.vector_load_idx %arg5[%parallel_loop3A_459, %parallel_loop3A_462] : memref<128x64xf32, #tpu.memory_space<vmem>>[vector<16xi32>, vector<16xi32>], vector<16xf32>,
      %parallel_loop3A_464 = arith.index_cast %parallel_loop3A_370 : i32 to index
      %parallel_loop3A_465 = arith.constant 80 : index
      %parallel_loop3A_466 = tpu.vector_load %arg7[%parallel_loop3A_464, %parallel_loop3A_465] {strides = array<i32>} : memref<64x128xf32, #tpu.memory_space<vmem>>, vector<16xf32>,
      tpu.vector_store %arg7[%parallel_loop3A_464, %parallel_loop3A_465], %parallel_loop3A_463 {strides = array<i32>} : memref<64x128xf32, #tpu.memory_space<vmem>>, vector<16xf32>,
      %parallel_loop3A_467 = math.exp %parallel_loop3A_463 : vector<16xf32>
      %parallel_loop3A_468 = arith.addf %parallel_loop3A_376, %parallel_loop3A_467 : vector<16xf32>
      %parallel_loop3A_469 = arith.index_cast %parallel_loop3A_370 : i32 to index
      %parallel_loop3A_470 = arith.constant 96 : index
      %parallel_loop3A_471 = tpu.vector_load %arg6[%parallel_loop3A_469, %parallel_loop3A_470] {strides = array<i32>} : memref<64x128xi32, #tpu.memory_space<vmem>>, vector<16xi32>,
      %parallel_loop3A_472 = arith.constant 6 : i32
      %parallel_loop3A_473 = vector.broadcast %parallel_loop3A_472 : i32 to vector<16xi32>
      %parallel_loop3A_474 = arith.shrui %parallel_loop3A_471, %parallel_loop3A_473 : vector<16xi32>
      %parallel_loop3A_475 = arith.constant 63 : i32
      %parallel_loop3A_476 = vector.broadcast %parallel_loop3A_475 : i32 to vector<16xi32>
      %parallel_loop3A_477 = arith.andi %parallel_loop3A_471, %parallel_loop3A_476 : vector<16xi32>
      %parallel_loop3A_478 = tpu.vector_load_idx %arg5[%parallel_loop3A_474, %parallel_loop3A_477] : memref<128x64xf32, #tpu.memory_space<vmem>>[vector<16xi32>, vector<16xi32>], vector<16xf32>,
      %parallel_loop3A_479 = arith.index_cast %parallel_loop3A_370 : i32 to index
      %parallel_loop3A_480 = arith.constant 96 : index
      %parallel_loop3A_481 = tpu.vector_load %arg7[%parallel_loop3A_479, %parallel_loop3A_480] {strides = array<i32>} : memref<64x128xf32, #tpu.memory_space<vmem>>, vector<16xf32>,
      tpu.vector_store %arg7[%parallel_loop3A_479, %parallel_loop3A_480], %parallel_loop3A_478 {strides = array<i32>} : memref<64x128xf32, #tpu.memory_space<vmem>>, vector<16xf32>,
      %parallel_loop3A_482 = math.exp %parallel_loop3A_478 : vector<16xf32>
      %parallel_loop3A_483 = arith.addf %parallel_loop3A_377, %parallel_loop3A_482 : vector<16xf32>
      %parallel_loop3A_484 = arith.index_cast %parallel_loop3A_370 : i32 to index
      %parallel_loop3A_485 = arith.constant 112 : index
      %parallel_loop3A_486 = tpu.vector_load %arg6[%parallel_loop3A_484, %parallel_loop3A_485] {strides = array<i32>} : memref<64x128xi32, #tpu.memory_space<vmem>>, vector<16xi32>,
      %parallel_loop3A_487 = arith.constant 6 : i32
      %parallel_loop3A_488 = vector.broadcast %parallel_loop3A_487 : i32 to vector<16xi32>
      %parallel_loop3A_489 = arith.shrui %parallel_loop3A_486, %parallel_loop3A_488 : vector<16xi32>
      %parallel_loop3A_490 = arith.constant 63 : i32
      %parallel_loop3A_491 = vector.broadcast %parallel_loop3A_490 : i32 to vector<16xi32>
      %parallel_loop3A_492 = arith.andi %parallel_loop3A_486, %parallel_loop3A_491 : vector<16xi32>
      %parallel_loop3A_493 = tpu.vector_load_idx %arg5[%parallel_loop3A_489, %parallel_loop3A_492] : memref<128x64xf32, #tpu.memory_space<vmem>>[vector<16xi32>, vector<16xi32>], vector<16xf32>,
      %parallel_loop3A_494 = arith.index_cast %parallel_loop3A_370 : i32 to index
      %parallel_loop3A_495 = arith.constant 112 : index
      %parallel_loop3A_496 = tpu.vector_load %arg7[%parallel_loop3A_494, %parallel_loop3A_495] {strides = array<i32>} : memref<64x128xf32, #tpu.memory_space<vmem>>, vector<16xf32>,
      tpu.vector_store %arg7[%parallel_loop3A_494, %parallel_loop3A_495], %parallel_loop3A_493 {strides = array<i32>} : memref<64x128xf32, #tpu.memory_space<vmem>>, vector<16xf32>,
      %parallel_loop3A_497 = math.exp %parallel_loop3A_493 : vector<16xf32>
      %parallel_loop3A_498 = arith.addf %parallel_loop3A_378, %parallel_loop3A_497 : vector<16xf32>
      scf.yield %parallel_loop3A_393, %parallel_loop3A_408, %parallel_loop3A_423, %parallel_loop3A_438, %parallel_loop3A_453, %parallel_loop3A_468, %parallel_loop3A_483, %parallel_loop3A_498 : vector<16xf32>, vector<16xf32>, vector<16xf32>, vector<16xf32>, vector<16xf32>, vector<16xf32>, vector<16xf32>, vector<16xf32>
    } {sc.loop_unroll_factor = 1 : i64, sc.parallel_access}
    %bitcast3A = vector.bitcast %parallel_loop3A_12#0 : vector<16xf32> to vector<16xi32>
    %shift_right_logical3A = arith.constant 23 : i32
    %shift_right_logical3A_13 = vector.broadcast %shift_right_logical3A : i32 to vector<16xi32>
    %shift_right_logical3A_14 = arith.shrui %bitcast3A, %shift_right_logical3A_13 : vector<16xi32>
    %sub3A = arith.constant 127 : i32
    %sub3A_15 = vector.broadcast %sub3A : i32 to vector<16xi32>
    %sub3A_16 = arith.subi %shift_right_logical3A_14, %sub3A_15 : vector<16xi32>
    %and3A = arith.constant 8388607 : i32
    %and3A_17 = vector.broadcast %and3A : i32 to vector<16xi32>
    %and3A_18 = arith.andi %bitcast3A, %and3A_17 : vector<16xi32>
    %or3A = arith.constant 1065353216 : i32
    %or3A_19 = vector.broadcast %or3A : i32 to vector<16xi32>
    %or3A_20 = arith.ori %and3A_18, %or3A_19 : vector<16xi32>
    %bitcast3A_21 = vector.bitcast %or3A_20 : vector<16xi32> to vector<16xf32>
    %mul3A_22 = arith.constant -0.0248256065 : f32
    %mul3A_23 = vector.broadcast %mul3A_22 : f32 to vector<16xf32>
    %mul3A_24 = arith.mulf %mul3A_23, %bitcast3A_21 : vector<16xf32>
    %add3A_25 = arith.constant 0.266858816 : f32
    %add3A_26 = vector.broadcast %add3A_25 : f32 to vector<16xf32>
    %add3A_27 = arith.addf %mul3A_24, %add3A_26 : vector<16xf32>
    %mul3A_28 = arith.mulf %add3A_27, %bitcast3A_21 : vector<16xf32>
    %add3A_29 = arith.constant -1.23426318 : f32
    %add3A_30 = vector.broadcast %add3A_29 : f32 to vector<16xf32>
    %add3A_31 = arith.addf %mul3A_28, %add3A_30 : vector<16xf32>
    %mul3A_32 = arith.mulf %add3A_31, %bitcast3A_21 : vector<16xf32>
    %add3A_33 = arith.constant 3.21883273 : f32
    %add3A_34 = vector.broadcast %add3A_33 : f32 to vector<16xf32>
    %add3A_35 = arith.addf %mul3A_32, %add3A_34 : vector<16xf32>
    %mul3A_36 = arith.mulf %add3A_35, %bitcast3A_21 : vector<16xf32>
    %add3A_37 = arith.constant -5.26411057 : f32
    %add3A_38 = vector.broadcast %add3A_37 : f32 to vector<16xf32>
    %add3A_39 = arith.addf %mul3A_36, %add3A_38 : vector<16xf32>
    %mul3A_40 = arith.mulf %add3A_39, %bitcast3A_21 : vector<16xf32>
    %add3A_41 = arith.constant 6.065830e+00 : f32
    %add3A_42 = vector.broadcast %add3A_41 : f32 to vector<16xf32>
    %add3A_43 = arith.addf %mul3A_40, %add3A_42 : vector<16xf32>
    %mul3A_44 = arith.mulf %add3A_43, %bitcast3A_21 : vector<16xf32>
    %add3A_45 = arith.constant -3.02831745 : f32
    %add3A_46 = vector.broadcast %add3A_45 : f32 to vector<16xf32>
    %add3A_47 = arith.addf %mul3A_44, %add3A_46 : vector<16xf32>
    %convert_element_type3A = arith.sitofp %sub3A_16 : vector<16xi32> to vector<16xf32>
    %add3A_48 = arith.addf %convert_element_type3A, %add3A_47 : vector<16xf32>
    %mul3A_49 = arith.constant 0.693147182 : f32
    %mul3A_50 = vector.broadcast %mul3A_49 : f32 to vector<16xf32>
    %mul3A_51 = arith.mulf %add3A_48, %mul3A_50 : vector<16xf32>
    %bitcast3A_52 = vector.bitcast %parallel_loop3A_12#1 : vector<16xf32> to vector<16xi32>
    %shift_right_logical3A_53 = arith.constant 23 : i32
    %shift_right_logical3A_54 = vector.broadcast %shift_right_logical3A_53 : i32 to vector<16xi32>
    %shift_right_logical3A_55 = arith.shrui %bitcast3A_52, %shift_right_logical3A_54 : vector<16xi32>
    %sub3A_56 = arith.constant 127 : i32
    %sub3A_57 = vector.broadcast %sub3A_56 : i32 to vector<16xi32>
    %sub3A_58 = arith.subi %shift_right_logical3A_55, %sub3A_57 : vector<16xi32>
    %and3A_59 = arith.constant 8388607 : i32
    %and3A_60 = vector.broadcast %and3A_59 : i32 to vector<16xi32>
    %and3A_61 = arith.andi %bitcast3A_52, %and3A_60 : vector<16xi32>
    %or3A_62 = arith.constant 1065353216 : i32
    %or3A_63 = vector.broadcast %or3A_62 : i32 to vector<16xi32>
    %or3A_64 = arith.ori %and3A_61, %or3A_63 : vector<16xi32>
    %bitcast3A_65 = vector.bitcast %or3A_64 : vector<16xi32> to vector<16xf32>
    %mul3A_66 = arith.constant -0.0248256065 : f32
    %mul3A_67 = vector.broadcast %mul3A_66 : f32 to vector<16xf32>
    %mul3A_68 = arith.mulf %mul3A_67, %bitcast3A_65 : vector<16xf32>
    %add3A_69 = arith.constant 0.266858816 : f32
    %add3A_70 = vector.broadcast %add3A_69 : f32 to vector<16xf32>
    %add3A_71 = arith.addf %mul3A_68, %add3A_70 : vector<16xf32>
    %mul3A_72 = arith.mulf %add3A_71, %bitcast3A_65 : vector<16xf32>
    %add3A_73 = arith.constant -1.23426318 : f32
    %add3A_74 = vector.broadcast %add3A_73 : f32 to vector<16xf32>
    %add3A_75 = arith.addf %mul3A_72, %add3A_74 : vector<16xf32>
    %mul3A_76 = arith.mulf %add3A_75, %bitcast3A_65 : vector<16xf32>
    %add3A_77 = arith.constant 3.21883273 : f32
    %add3A_78 = vector.broadcast %add3A_77 : f32 to vector<16xf32>
    %add3A_79 = arith.addf %mul3A_76, %add3A_78 : vector<16xf32>
    %mul3A_80 = arith.mulf %add3A_79, %bitcast3A_65 : vector<16xf32>
    %add3A_81 = arith.constant -5.26411057 : f32
    %add3A_82 = vector.broadcast %add3A_81 : f32 to vector<16xf32>
    %add3A_83 = arith.addf %mul3A_80, %add3A_82 : vector<16xf32>
    %mul3A_84 = arith.mulf %add3A_83, %bitcast3A_65 : vector<16xf32>
    %add3A_85 = arith.constant 6.065830e+00 : f32
    %add3A_86 = vector.broadcast %add3A_85 : f32 to vector<16xf32>
    %add3A_87 = arith.addf %mul3A_84, %add3A_86 : vector<16xf32>
    %mul3A_88 = arith.mulf %add3A_87, %bitcast3A_65 : vector<16xf32>
    %add3A_89 = arith.constant -3.02831745 : f32
    %add3A_90 = vector.broadcast %add3A_89 : f32 to vector<16xf32>
    %add3A_91 = arith.addf %mul3A_88, %add3A_90 : vector<16xf32>
    %convert_element_type3A_92 = arith.sitofp %sub3A_58 : vector<16xi32> to vector<16xf32>
    %add3A_93 = arith.addf %convert_element_type3A_92, %add3A_91 : vector<16xf32>
    %mul3A_94 = arith.constant 0.693147182 : f32
    %mul3A_95 = vector.broadcast %mul3A_94 : f32 to vector<16xf32>
    %mul3A_96 = arith.mulf %add3A_93, %mul3A_95 : vector<16xf32>
    %bitcast3A_97 = vector.bitcast %parallel_loop3A_12#2 : vector<16xf32> to vector<16xi32>
    %shift_right_logical3A_98 = arith.constant 23 : i32
    %shift_right_logical3A_99 = vector.broadcast %shift_right_logical3A_98 : i32 to vector<16xi32>
    %shift_right_logical3A_100 = arith.shrui %bitcast3A_97, %shift_right_logical3A_99 : vector<16xi32>
    %sub3A_101 = arith.constant 127 : i32
    %sub3A_102 = vector.broadcast %sub3A_101 : i32 to vector<16xi32>
    %sub3A_103 = arith.subi %shift_right_logical3A_100, %sub3A_102 : vector<16xi32>
    %and3A_104 = arith.constant 8388607 : i32
    %and3A_105 = vector.broadcast %and3A_104 : i32 to vector<16xi32>
    %and3A_106 = arith.andi %bitcast3A_97, %and3A_105 : vector<16xi32>
    %or3A_107 = arith.constant 1065353216 : i32
    %or3A_108 = vector.broadcast %or3A_107 : i32 to vector<16xi32>
    %or3A_109 = arith.ori %and3A_106, %or3A_108 : vector<16xi32>
    %bitcast3A_110 = vector.bitcast %or3A_109 : vector<16xi32> to vector<16xf32>
    %mul3A_111 = arith.constant -0.0248256065 : f32
    %mul3A_112 = vector.broadcast %mul3A_111 : f32 to vector<16xf32>
    %mul3A_113 = arith.mulf %mul3A_112, %bitcast3A_110 : vector<16xf32>
    %add3A_114 = arith.constant 0.266858816 : f32
    %add3A_115 = vector.broadcast %add3A_114 : f32 to vector<16xf32>
    %add3A_116 = arith.addf %mul3A_113, %add3A_115 : vector<16xf32>
    %mul3A_117 = arith.mulf %add3A_116, %bitcast3A_110 : vector<16xf32>
    %add3A_118 = arith.constant -1.23426318 : f32
    %add3A_119 = vector.broadcast %add3A_118 : f32 to vector<16xf32>
    %add3A_120 = arith.addf %mul3A_117, %add3A_119 : vector<16xf32>
    %mul3A_121 = arith.mulf %add3A_120, %bitcast3A_110 : vector<16xf32>
    %add3A_122 = arith.constant 3.21883273 : f32
    %add3A_123 = vector.broadcast %add3A_122 : f32 to vector<16xf32>
    %add3A_124 = arith.addf %mul3A_121, %add3A_123 : vector<16xf32>
    %mul3A_125 = arith.mulf %add3A_124, %bitcast3A_110 : vector<16xf32>
    %add3A_126 = arith.constant -5.26411057 : f32
    %add3A_127 = vector.broadcast %add3A_126 : f32 to vector<16xf32>
    %add3A_128 = arith.addf %mul3A_125, %add3A_127 : vector<16xf32>
    %mul3A_129 = arith.mulf %add3A_128, %bitcast3A_110 : vector<16xf32>
    %add3A_130 = arith.constant 6.065830e+00 : f32
    %add3A_131 = vector.broadcast %add3A_130 : f32 to vector<16xf32>
    %add3A_132 = arith.addf %mul3A_129, %add3A_131 : vector<16xf32>
    %mul3A_133 = arith.mulf %add3A_132, %bitcast3A_110 : vector<16xf32>
    %add3A_134 = arith.constant -3.02831745 : f32
    %add3A_135 = vector.broadcast %add3A_134 : f32 to vector<16xf32>
    %add3A_136 = arith.addf %mul3A_133, %add3A_135 : vector<16xf32>
    %convert_element_type3A_137 = arith.sitofp %sub3A_103 : vector<16xi32> to vector<16xf32>
    %add3A_138 = arith.addf %convert_element_type3A_137, %add3A_136 : vector<16xf32>
    %mul3A_139 = arith.constant 0.693147182 : f32
    %mul3A_140 = vector.broadcast %mul3A_139 : f32 to vector<16xf32>
    %mul3A_141 = arith.mulf %add3A_138, %mul3A_140 : vector<16xf32>
    %bitcast3A_142 = vector.bitcast %parallel_loop3A_12#3 : vector<16xf32> to vector<16xi32>
    %shift_right_logical3A_143 = arith.constant 23 : i32
    %shift_right_logical3A_144 = vector.broadcast %shift_right_logical3A_143 : i32 to vector<16xi32>
    %shift_right_logical3A_145 = arith.shrui %bitcast3A_142, %shift_right_logical3A_144 : vector<16xi32>
    %sub3A_146 = arith.constant 127 : i32
    %sub3A_147 = vector.broadcast %sub3A_146 : i32 to vector<16xi32>
    %sub3A_148 = arith.subi %shift_right_logical3A_145, %sub3A_147 : vector<16xi32>
    %and3A_149 = arith.constant 8388607 : i32
    %and3A_150 = vector.broadcast %and3A_149 : i32 to vector<16xi32>
    %and3A_151 = arith.andi %bitcast3A_142, %and3A_150 : vector<16xi32>
    %or3A_152 = arith.constant 1065353216 : i32
    %or3A_153 = vector.broadcast %or3A_152 : i32 to vector<16xi32>
    %or3A_154 = arith.ori %and3A_151, %or3A_153 : vector<16xi32>
    %bitcast3A_155 = vector.bitcast %or3A_154 : vector<16xi32> to vector<16xf32>
    %mul3A_156 = arith.constant -0.0248256065 : f32
    %mul3A_157 = vector.broadcast %mul3A_156 : f32 to vector<16xf32>
    %mul3A_158 = arith.mulf %mul3A_157, %bitcast3A_155 : vector<16xf32>
    %add3A_159 = arith.constant 0.266858816 : f32
    %add3A_160 = vector.broadcast %add3A_159 : f32 to vector<16xf32>
    %add3A_161 = arith.addf %mul3A_158, %add3A_160 : vector<16xf32>
    %mul3A_162 = arith.mulf %add3A_161, %bitcast3A_155 : vector<16xf32>
    %add3A_163 = arith.constant -1.23426318 : f32
    %add3A_164 = vector.broadcast %add3A_163 : f32 to vector<16xf32>
    %add3A_165 = arith.addf %mul3A_162, %add3A_164 : vector<16xf32>
    %mul3A_166 = arith.mulf %add3A_165, %bitcast3A_155 : vector<16xf32>
    %add3A_167 = arith.constant 3.21883273 : f32
    %add3A_168 = vector.broadcast %add3A_167 : f32 to vector<16xf32>
    %add3A_169 = arith.addf %mul3A_166, %add3A_168 : vector<16xf32>
    %mul3A_170 = arith.mulf %add3A_169, %bitcast3A_155 : vector<16xf32>
    %add3A_171 = arith.constant -5.26411057 : f32
    %add3A_172 = vector.broadcast %add3A_171 : f32 to vector<16xf32>
    %add3A_173 = arith.addf %mul3A_170, %add3A_172 : vector<16xf32>
    %mul3A_174 = arith.mulf %add3A_173, %bitcast3A_155 : vector<16xf32>
    %add3A_175 = arith.constant 6.065830e+00 : f32
    %add3A_176 = vector.broadcast %add3A_175 : f32 to vector<16xf32>
    %add3A_177 = arith.addf %mul3A_174, %add3A_176 : vector<16xf32>
    %mul3A_178 = arith.mulf %add3A_177, %bitcast3A_155 : vector<16xf32>
    %add3A_179 = arith.constant -3.02831745 : f32
    %add3A_180 = vector.broadcast %add3A_179 : f32 to vector<16xf32>
    %add3A_181 = arith.addf %mul3A_178, %add3A_180 : vector<16xf32>
    %convert_element_type3A_182 = arith.sitofp %sub3A_148 : vector<16xi32> to vector<16xf32>
    %add3A_183 = arith.addf %convert_element_type3A_182, %add3A_181 : vector<16xf32>
    %mul3A_184 = arith.constant 0.693147182 : f32
    %mul3A_185 = vector.broadcast %mul3A_184 : f32 to vector<16xf32>
    %mul3A_186 = arith.mulf %add3A_183, %mul3A_185 : vector<16xf32>
    %bitcast3A_187 = vector.bitcast %parallel_loop3A_12#4 : vector<16xf32> to vector<16xi32>
    %shift_right_logical3A_188 = arith.constant 23 : i32
    %shift_right_logical3A_189 = vector.broadcast %shift_right_logical3A_188 : i32 to vector<16xi32>
    %shift_right_logical3A_190 = arith.shrui %bitcast3A_187, %shift_right_logical3A_189 : vector<16xi32>
    %sub3A_191 = arith.constant 127 : i32
    %sub3A_192 = vector.broadcast %sub3A_191 : i32 to vector<16xi32>
    %sub3A_193 = arith.subi %shift_right_logical3A_190, %sub3A_192 : vector<16xi32>
    %and3A_194 = arith.constant 8388607 : i32
    %and3A_195 = vector.broadcast %and3A_194 : i32 to vector<16xi32>
    %and3A_196 = arith.andi %bitcast3A_187, %and3A_195 : vector<16xi32>
    %or3A_197 = arith.constant 1065353216 : i32
    %or3A_198 = vector.broadcast %or3A_197 : i32 to vector<16xi32>
    %or3A_199 = arith.ori %and3A_196, %or3A_198 : vector<16xi32>
    %bitcast3A_200 = vector.bitcast %or3A_199 : vector<16xi32> to vector<16xf32>
    %mul3A_201 = arith.constant -0.0248256065 : f32
    %mul3A_202 = vector.broadcast %mul3A_201 : f32 to vector<16xf32>
    %mul3A_203 = arith.mulf %mul3A_202, %bitcast3A_200 : vector<16xf32>
    %add3A_204 = arith.constant 0.266858816 : f32
    %add3A_205 = vector.broadcast %add3A_204 : f32 to vector<16xf32>
    %add3A_206 = arith.addf %mul3A_203, %add3A_205 : vector<16xf32>
    %mul3A_207 = arith.mulf %add3A_206, %bitcast3A_200 : vector<16xf32>
    %add3A_208 = arith.constant -1.23426318 : f32
    %add3A_209 = vector.broadcast %add3A_208 : f32 to vector<16xf32>
    %add3A_210 = arith.addf %mul3A_207, %add3A_209 : vector<16xf32>
    %mul3A_211 = arith.mulf %add3A_210, %bitcast3A_200 : vector<16xf32>
    %add3A_212 = arith.constant 3.21883273 : f32
    %add3A_213 = vector.broadcast %add3A_212 : f32 to vector<16xf32>
    %add3A_214 = arith.addf %mul3A_211, %add3A_213 : vector<16xf32>
    %mul3A_215 = arith.mulf %add3A_214, %bitcast3A_200 : vector<16xf32>
    %add3A_216 = arith.constant -5.26411057 : f32
    %add3A_217 = vector.broadcast %add3A_216 : f32 to vector<16xf32>
    %add3A_218 = arith.addf %mul3A_215, %add3A_217 : vector<16xf32>
    %mul3A_219 = arith.mulf %add3A_218, %bitcast3A_200 : vector<16xf32>
    %add3A_220 = arith.constant 6.065830e+00 : f32
    %add3A_221 = vector.broadcast %add3A_220 : f32 to vector<16xf32>
    %add3A_222 = arith.addf %mul3A_219, %add3A_221 : vector<16xf32>
    %mul3A_223 = arith.mulf %add3A_222, %bitcast3A_200 : vector<16xf32>
    %add3A_224 = arith.constant -3.02831745 : f32
    %add3A_225 = vector.broadcast %add3A_224 : f32 to vector<16xf32>
    %add3A_226 = arith.addf %mul3A_223, %add3A_225 : vector<16xf32>
    %convert_element_type3A_227 = arith.sitofp %sub3A_193 : vector<16xi32> to vector<16xf32>
    %add3A_228 = arith.addf %convert_element_type3A_227, %add3A_226 : vector<16xf32>
    %mul3A_229 = arith.constant 0.693147182 : f32
    %mul3A_230 = vector.broadcast %mul3A_229 : f32 to vector<16xf32>
    %mul3A_231 = arith.mulf %add3A_228, %mul3A_230 : vector<16xf32>
    %bitcast3A_232 = vector.bitcast %parallel_loop3A_12#5 : vector<16xf32> to vector<16xi32>
    %shift_right_logical3A_233 = arith.constant 23 : i32
    %shift_right_logical3A_234 = vector.broadcast %shift_right_logical3A_233 : i32 to vector<16xi32>
    %shift_right_logical3A_235 = arith.shrui %bitcast3A_232, %shift_right_logical3A_234 : vector<16xi32>
    %sub3A_236 = arith.constant 127 : i32
    %sub3A_237 = vector.broadcast %sub3A_236 : i32 to vector<16xi32>
    %sub3A_238 = arith.subi %shift_right_logical3A_235, %sub3A_237 : vector<16xi32>
    %and3A_239 = arith.constant 8388607 : i32
    %and3A_240 = vector.broadcast %and3A_239 : i32 to vector<16xi32>
    %and3A_241 = arith.andi %bitcast3A_232, %and3A_240 : vector<16xi32>
    %or3A_242 = arith.constant 1065353216 : i32
    %or3A_243 = vector.broadcast %or3A_242 : i32 to vector<16xi32>
    %or3A_244 = arith.ori %and3A_241, %or3A_243 : vector<16xi32>
    %bitcast3A_245 = vector.bitcast %or3A_244 : vector<16xi32> to vector<16xf32>
    %mul3A_246 = arith.constant -0.0248256065 : f32
    %mul3A_247 = vector.broadcast %mul3A_246 : f32 to vector<16xf32>
    %mul3A_248 = arith.mulf %mul3A_247, %bitcast3A_245 : vector<16xf32>
    %add3A_249 = arith.constant 0.266858816 : f32
    %add3A_250 = vector.broadcast %add3A_249 : f32 to vector<16xf32>
    %add3A_251 = arith.addf %mul3A_248, %add3A_250 : vector<16xf32>
    %mul3A_252 = arith.mulf %add3A_251, %bitcast3A_245 : vector<16xf32>
    %add3A_253 = arith.constant -1.23426318 : f32
    %add3A_254 = vector.broadcast %add3A_253 : f32 to vector<16xf32>
    %add3A_255 = arith.addf %mul3A_252, %add3A_254 : vector<16xf32>
    %mul3A_256 = arith.mulf %add3A_255, %bitcast3A_245 : vector<16xf32>
    %add3A_257 = arith.constant 3.21883273 : f32
    %add3A_258 = vector.broadcast %add3A_257 : f32 to vector<16xf32>
    %add3A_259 = arith.addf %mul3A_256, %add3A_258 : vector<16xf32>
    %mul3A_260 = arith.mulf %add3A_259, %bitcast3A_245 : vector<16xf32>
    %add3A_261 = arith.constant -5.26411057 : f32
    %add3A_262 = vector.broadcast %add3A_261 : f32 to vector<16xf32>
    %add3A_263 = arith.addf %mul3A_260, %add3A_262 : vector<16xf32>
    %mul3A_264 = arith.mulf %add3A_263, %bitcast3A_245 : vector<16xf32>
    %add3A_265 = arith.constant 6.065830e+00 : f32
    %add3A_266 = vector.broadcast %add3A_265 : f32 to vector<16xf32>
    %add3A_267 = arith.addf %mul3A_264, %add3A_266 : vector<16xf32>
    %mul3A_268 = arith.mulf %add3A_267, %bitcast3A_245 : vector<16xf32>
    %add3A_269 = arith.constant -3.02831745 : f32
    %add3A_270 = vector.broadcast %add3A_269 : f32 to vector<16xf32>
    %add3A_271 = arith.addf %mul3A_268, %add3A_270 : vector<16xf32>
    %convert_element_type3A_272 = arith.sitofp %sub3A_238 : vector<16xi32> to vector<16xf32>
    %add3A_273 = arith.addf %convert_element_type3A_272, %add3A_271 : vector<16xf32>
    %mul3A_274 = arith.constant 0.693147182 : f32
    %mul3A_275 = vector.broadcast %mul3A_274 : f32 to vector<16xf32>
    %mul3A_276 = arith.mulf %add3A_273, %mul3A_275 : vector<16xf32>
    %bitcast3A_277 = vector.bitcast %parallel_loop3A_12#6 : vector<16xf32> to vector<16xi32>
    %shift_right_logical3A_278 = arith.constant 23 : i32
    %shift_right_logical3A_279 = vector.broadcast %shift_right_logical3A_278 : i32 to vector<16xi32>
    %shift_right_logical3A_280 = arith.shrui %bitcast3A_277, %shift_right_logical3A_279 : vector<16xi32>
    %sub3A_281 = arith.constant 127 : i32
    %sub3A_282 = vector.broadcast %sub3A_281 : i32 to vector<16xi32>
    %sub3A_283 = arith.subi %shift_right_logical3A_280, %sub3A_282 : vector<16xi32>
    %and3A_284 = arith.constant 8388607 : i32
    %and3A_285 = vector.broadcast %and3A_284 : i32 to vector<16xi32>
    %and3A_286 = arith.andi %bitcast3A_277, %and3A_285 : vector<16xi32>
    %or3A_287 = arith.constant 1065353216 : i32
    %or3A_288 = vector.broadcast %or3A_287 : i32 to vector<16xi32>
    %or3A_289 = arith.ori %and3A_286, %or3A_288 : vector<16xi32>
    %bitcast3A_290 = vector.bitcast %or3A_289 : vector<16xi32> to vector<16xf32>
    %mul3A_291 = arith.constant -0.0248256065 : f32
    %mul3A_292 = vector.broadcast %mul3A_291 : f32 to vector<16xf32>
    %mul3A_293 = arith.mulf %mul3A_292, %bitcast3A_290 : vector<16xf32>
    %add3A_294 = arith.constant 0.266858816 : f32
    %add3A_295 = vector.broadcast %add3A_294 : f32 to vector<16xf32>
    %add3A_296 = arith.addf %mul3A_293, %add3A_295 : vector<16xf32>
    %mul3A_297 = arith.mulf %add3A_296, %bitcast3A_290 : vector<16xf32>
    %add3A_298 = arith.constant -1.23426318 : f32
    %add3A_299 = vector.broadcast %add3A_298 : f32 to vector<16xf32>
    %add3A_300 = arith.addf %mul3A_297, %add3A_299 : vector<16xf32>
    %mul3A_301 = arith.mulf %add3A_300, %bitcast3A_290 : vector<16xf32>
    %add3A_302 = arith.constant 3.21883273 : f32
    %add3A_303 = vector.broadcast %add3A_302 : f32 to vector<16xf32>
    %add3A_304 = arith.addf %mul3A_301, %add3A_303 : vector<16xf32>
    %mul3A_305 = arith.mulf %add3A_304, %bitcast3A_290 : vector<16xf32>
    %add3A_306 = arith.constant -5.26411057 : f32
    %add3A_307 = vector.broadcast %add3A_306 : f32 to vector<16xf32>
    %add3A_308 = arith.addf %mul3A_305, %add3A_307 : vector<16xf32>
    %mul3A_309 = arith.mulf %add3A_308, %bitcast3A_290 : vector<16xf32>
    %add3A_310 = arith.constant 6.065830e+00 : f32
    %add3A_311 = vector.broadcast %add3A_310 : f32 to vector<16xf32>
    %add3A_312 = arith.addf %mul3A_309, %add3A_311 : vector<16xf32>
    %mul3A_313 = arith.mulf %add3A_312, %bitcast3A_290 : vector<16xf32>
    %add3A_314 = arith.constant -3.02831745 : f32
    %add3A_315 = vector.broadcast %add3A_314 : f32 to vector<16xf32>
    %add3A_316 = arith.addf %mul3A_313, %add3A_315 : vector<16xf32>
    %convert_element_type3A_317 = arith.sitofp %sub3A_283 : vector<16xi32> to vector<16xf32>
    %add3A_318 = arith.addf %convert_element_type3A_317, %add3A_316 : vector<16xf32>
    %mul3A_319 = arith.constant 0.693147182 : f32
    %mul3A_320 = vector.broadcast %mul3A_319 : f32 to vector<16xf32>
    %mul3A_321 = arith.mulf %add3A_318, %mul3A_320 : vector<16xf32>
    %bitcast3A_322 = vector.bitcast %parallel_loop3A_12#7 : vector<16xf32> to vector<16xi32>
    %shift_right_logical3A_323 = arith.constant 23 : i32
    %shift_right_logical3A_324 = vector.broadcast %shift_right_logical3A_323 : i32 to vector<16xi32>
    %shift_right_logical3A_325 = arith.shrui %bitcast3A_322, %shift_right_logical3A_324 : vector<16xi32>
    %sub3A_326 = arith.constant 127 : i32
    %sub3A_327 = vector.broadcast %sub3A_326 : i32 to vector<16xi32>
    %sub3A_328 = arith.subi %shift_right_logical3A_325, %sub3A_327 : vector<16xi32>
    %and3A_329 = arith.constant 8388607 : i32
    %and3A_330 = vector.broadcast %and3A_329 : i32 to vector<16xi32>
    %and3A_331 = arith.andi %bitcast3A_322, %and3A_330 : vector<16xi32>
    %or3A_332 = arith.constant 1065353216 : i32
    %or3A_333 = vector.broadcast %or3A_332 : i32 to vector<16xi32>
    %or3A_334 = arith.ori %and3A_331, %or3A_333 : vector<16xi32>
    %bitcast3A_335 = vector.bitcast %or3A_334 : vector<16xi32> to vector<16xf32>
    %mul3A_336 = arith.constant -0.0248256065 : f32
    %mul3A_337 = vector.broadcast %mul3A_336 : f32 to vector<16xf32>
    %mul3A_338 = arith.mulf %mul3A_337, %bitcast3A_335 : vector<16xf32>
    %add3A_339 = arith.constant 0.266858816 : f32
    %add3A_340 = vector.broadcast %add3A_339 : f32 to vector<16xf32>
    %add3A_341 = arith.addf %mul3A_338, %add3A_340 : vector<16xf32>
    %mul3A_342 = arith.mulf %add3A_341, %bitcast3A_335 : vector<16xf32>
    %add3A_343 = arith.constant -1.23426318 : f32
    %add3A_344 = vector.broadcast %add3A_343 : f32 to vector<16xf32>
    %add3A_345 = arith.addf %mul3A_342, %add3A_344 : vector<16xf32>
    %mul3A_346 = arith.mulf %add3A_345, %bitcast3A_335 : vector<16xf32>
    %add3A_347 = arith.constant 3.21883273 : f32
    %add3A_348 = vector.broadcast %add3A_347 : f32 to vector<16xf32>
    %add3A_349 = arith.addf %mul3A_346, %add3A_348 : vector<16xf32>
    %mul3A_350 = arith.mulf %add3A_349, %bitcast3A_335 : vector<16xf32>
    %add3A_351 = arith.constant -5.26411057 : f32
    %add3A_352 = vector.broadcast %add3A_351 : f32 to vector<16xf32>
    %add3A_353 = arith.addf %mul3A_350, %add3A_352 : vector<16xf32>
    %mul3A_354 = arith.mulf %add3A_353, %bitcast3A_335 : vector<16xf32>
    %add3A_355 = arith.constant 6.065830e+00 : f32
    %add3A_356 = vector.broadcast %add3A_355 : f32 to vector<16xf32>
    %add3A_357 = arith.addf %mul3A_354, %add3A_356 : vector<16xf32>
    %mul3A_358 = arith.mulf %add3A_357, %bitcast3A_335 : vector<16xf32>
    %add3A_359 = arith.constant -3.02831745 : f32
    %add3A_360 = vector.broadcast %add3A_359 : f32 to vector<16xf32>
    %add3A_361 = arith.addf %mul3A_358, %add3A_360 : vector<16xf32>
    %convert_element_type3A_362 = arith.sitofp %sub3A_328 : vector<16xi32> to vector<16xf32>
    %add3A_363 = arith.addf %convert_element_type3A_362, %add3A_361 : vector<16xf32>
    %mul3A_364 = arith.constant 0.693147182 : f32
    %mul3A_365 = vector.broadcast %mul3A_364 : f32 to vector<16xf32>
    %mul3A_366 = arith.mulf %add3A_363, %mul3A_365 : vector<16xf32>
    %parallel_loop3A_367 = arith.constant 0 : i32
    %parallel_loop3A_368 = arith.constant 64 : i32
    %parallel_loop3A_369 = arith.constant 1 : i32
    scf.for %parallel_loop3A_370 = %parallel_loop3A_367 to %parallel_loop3A_368 step %parallel_loop3A_369  : i32 {
      %parallel_loop3A_371 = arith.index_cast %parallel_loop3A_370 : i32 to index
      %parallel_loop3A_372 = arith.constant 0 : index
      %parallel_loop3A_373 = tpu.vector_load %arg7[%parallel_loop3A_371, %parallel_loop3A_372] {strides = array<i32>} : memref<64x128xf32, #tpu.memory_space<vmem>>, vector<16xf32>,
      %parallel_loop3A_374 = arith.subf %parallel_loop3A_373, %mul3A_51 : vector<16xf32>
      %parallel_loop3A_375 = arith.index_cast %parallel_loop3A_370 : i32 to index
      %parallel_loop3A_376 = arith.constant 0 : index
      %parallel_loop3A_377 = tpu.vector_load %arg7[%parallel_loop3A_375, %parallel_loop3A_376] {strides = array<i32>} : memref<64x128xf32, #tpu.memory_space<vmem>>, vector<16xf32>,
      tpu.vector_store %arg7[%parallel_loop3A_375, %parallel_loop3A_376], %parallel_loop3A_374 {strides = array<i32>} : memref<64x128xf32, #tpu.memory_space<vmem>>, vector<16xf32>,
      %parallel_loop3A_378 = arith.index_cast %parallel_loop3A_370 : i32 to index
      %parallel_loop3A_379 = arith.constant 16 : index
      %parallel_loop3A_380 = tpu.vector_load %arg7[%parallel_loop3A_378, %parallel_loop3A_379] {strides = array<i32>} : memref<64x128xf32, #tpu.memory_space<vmem>>, vector<16xf32>,
      %parallel_loop3A_381 = arith.subf %parallel_loop3A_380, %mul3A_96 : vector<16xf32>
      %parallel_loop3A_382 = arith.index_cast %parallel_loop3A_370 : i32 to index
      %parallel_loop3A_383 = arith.constant 16 : index
      %parallel_loop3A_384 = tpu.vector_load %arg7[%parallel_loop3A_382, %parallel_loop3A_383] {strides = array<i32>} : memref<64x128xf32, #tpu.memory_space<vmem>>, vector<16xf32>,
      tpu.vector_store %arg7[%parallel_loop3A_382, %parallel_loop3A_383], %parallel_loop3A_381 {strides = array<i32>} : memref<64x128xf32, #tpu.memory_space<vmem>>, vector<16xf32>,
      %parallel_loop3A_385 = arith.index_cast %parallel_loop3A_370 : i32 to index
      %parallel_loop3A_386 = arith.constant 32 : index
      %parallel_loop3A_387 = tpu.vector_load %arg7[%parallel_loop3A_385, %parallel_loop3A_386] {strides = array<i32>} : memref<64x128xf32, #tpu.memory_space<vmem>>, vector<16xf32>,
      %parallel_loop3A_388 = arith.subf %parallel_loop3A_387, %mul3A_141 : vector<16xf32>
      %parallel_loop3A_389 = arith.index_cast %parallel_loop3A_370 : i32 to index
      %parallel_loop3A_390 = arith.constant 32 : index
      %parallel_loop3A_391 = tpu.vector_load %arg7[%parallel_loop3A_389, %parallel_loop3A_390] {strides = array<i32>} : memref<64x128xf32, #tpu.memory_space<vmem>>, vector<16xf32>,
      tpu.vector_store %arg7[%parallel_loop3A_389, %parallel_loop3A_390], %parallel_loop3A_388 {strides = array<i32>} : memref<64x128xf32, #tpu.memory_space<vmem>>, vector<16xf32>,
      %parallel_loop3A_392 = arith.index_cast %parallel_loop3A_370 : i32 to index
      %parallel_loop3A_393 = arith.constant 48 : index
      %parallel_loop3A_394 = tpu.vector_load %arg7[%parallel_loop3A_392, %parallel_loop3A_393] {strides = array<i32>} : memref<64x128xf32, #tpu.memory_space<vmem>>, vector<16xf32>,
      %parallel_loop3A_395 = arith.subf %parallel_loop3A_394, %mul3A_186 : vector<16xf32>
      %parallel_loop3A_396 = arith.index_cast %parallel_loop3A_370 : i32 to index
      %parallel_loop3A_397 = arith.constant 48 : index
      %parallel_loop3A_398 = tpu.vector_load %arg7[%parallel_loop3A_396, %parallel_loop3A_397] {strides = array<i32>} : memref<64x128xf32, #tpu.memory_space<vmem>>, vector<16xf32>,
      tpu.vector_store %arg7[%parallel_loop3A_396, %parallel_loop3A_397], %parallel_loop3A_395 {strides = array<i32>} : memref<64x128xf32, #tpu.memory_space<vmem>>, vector<16xf32>,
      %parallel_loop3A_399 = arith.index_cast %parallel_loop3A_370 : i32 to index
      %parallel_loop3A_400 = arith.constant 64 : index
      %parallel_loop3A_401 = tpu.vector_load %arg7[%parallel_loop3A_399, %parallel_loop3A_400] {strides = array<i32>} : memref<64x128xf32, #tpu.memory_space<vmem>>, vector<16xf32>,
      %parallel_loop3A_402 = arith.subf %parallel_loop3A_401, %mul3A_231 : vector<16xf32>
      %parallel_loop3A_403 = arith.index_cast %parallel_loop3A_370 : i32 to index
      %parallel_loop3A_404 = arith.constant 64 : index
      %parallel_loop3A_405 = tpu.vector_load %arg7[%parallel_loop3A_403, %parallel_loop3A_404] {strides = array<i32>} : memref<64x128xf32, #tpu.memory_space<vmem>>, vector<16xf32>,
      tpu.vector_store %arg7[%parallel_loop3A_403, %parallel_loop3A_404], %parallel_loop3A_402 {strides = array<i32>} : memref<64x128xf32, #tpu.memory_space<vmem>>, vector<16xf32>,
      %parallel_loop3A_406 = arith.index_cast %parallel_loop3A_370 : i32 to index
      %parallel_loop3A_407 = arith.constant 80 : index
      %parallel_loop3A_408 = tpu.vector_load %arg7[%parallel_loop3A_406, %parallel_loop3A_407] {strides = array<i32>} : memref<64x128xf32, #tpu.memory_space<vmem>>, vector<16xf32>,
      %parallel_loop3A_409 = arith.subf %parallel_loop3A_408, %mul3A_276 : vector<16xf32>
      %parallel_loop3A_410 = arith.index_cast %parallel_loop3A_370 : i32 to index
      %parallel_loop3A_411 = arith.constant 80 : index
      %parallel_loop3A_412 = tpu.vector_load %arg7[%parallel_loop3A_410, %parallel_loop3A_411] {strides = array<i32>} : memref<64x128xf32, #tpu.memory_space<vmem>>, vector<16xf32>,
      tpu.vector_store %arg7[%parallel_loop3A_410, %parallel_loop3A_411], %parallel_loop3A_409 {strides = array<i32>} : memref<64x128xf32, #tpu.memory_space<vmem>>, vector<16xf32>,
      %parallel_loop3A_413 = arith.index_cast %parallel_loop3A_370 : i32 to index
      %parallel_loop3A_414 = arith.constant 96 : index
      %parallel_loop3A_415 = tpu.vector_load %arg7[%parallel_loop3A_413, %parallel_loop3A_414] {strides = array<i32>} : memref<64x128xf32, #tpu.memory_space<vmem>>, vector<16xf32>,
      %parallel_loop3A_416 = arith.subf %parallel_loop3A_415, %mul3A_321 : vector<16xf32>
      %parallel_loop3A_417 = arith.index_cast %parallel_loop3A_370 : i32 to index
      %parallel_loop3A_418 = arith.constant 96 : index
      %parallel_loop3A_419 = tpu.vector_load %arg7[%parallel_loop3A_417, %parallel_loop3A_418] {strides = array<i32>} : memref<64x128xf32, #tpu.memory_space<vmem>>, vector<16xf32>,
      tpu.vector_store %arg7[%parallel_loop3A_417, %parallel_loop3A_418], %parallel_loop3A_416 {strides = array<i32>} : memref<64x128xf32, #tpu.memory_space<vmem>>, vector<16xf32>,
      %parallel_loop3A_420 = arith.index_cast %parallel_loop3A_370 : i32 to index
      %parallel_loop3A_421 = arith.constant 112 : index
      %parallel_loop3A_422 = tpu.vector_load %arg7[%parallel_loop3A_420, %parallel_loop3A_421] {strides = array<i32>} : memref<64x128xf32, #tpu.memory_space<vmem>>, vector<16xf32>,
      %parallel_loop3A_423 = arith.subf %parallel_loop3A_422, %mul3A_366 : vector<16xf32>
      %parallel_loop3A_424 = arith.index_cast %parallel_loop3A_370 : i32 to index
      %parallel_loop3A_425 = arith.constant 112 : index
      %parallel_loop3A_426 = tpu.vector_load %arg7[%parallel_loop3A_424, %parallel_loop3A_425] {strides = array<i32>} : memref<64x128xf32, #tpu.memory_space<vmem>>, vector<16xf32>,
      tpu.vector_store %arg7[%parallel_loop3A_424, %parallel_loop3A_425], %parallel_loop3A_423 {strides = array<i32>} : memref<64x128xf32, #tpu.memory_space<vmem>>, vector<16xf32>,
    } {sc.loop_unroll_factor = 1 : i64, sc.parallel_access}
    "tpu.region"() ({
      %run_scoped3A = tpu.sem_alloc : memref<!tpu.dma_semaphore, #tpu.memory_space<semaphore_mem>>
      %dma_start3A_370 = arith.constant 0 : i32
      %dma_start3A_371 = tpu.memref_slice %arg4[%dma_start3A_370, %mul3A_2] : memref<64x4096xf32, #tpu.memory_space<hbm>> -> memref<64x128xf32, #tpu.memory_space<hbm>>
      %dma_start3A_372 = arith.constant 0 : i32
      %dma_start3A_373 = tpu.memref_slice %arg4[%dma_start3A_372, %mul3A_2] : memref<64x4096xf32, #tpu.memory_space<hbm>> -> memref<64x128xf32, #tpu.memory_space<hbm>>
      tpu.enqueue_dma source(%arg7 : memref<64x128xf32, #tpu.memory_space<vmem>>) target(%dma_start3A_373 : memref<64x128xf32, #tpu.memory_space<hbm>>) target_semaphore(%run_scoped3A : memref<!tpu.dma_semaphore, #tpu.memory_space<semaphore_mem>>)
      %dma_wait3A_374 = arith.constant 0 : i32
      %dma_wait3A_375 = tpu.memref_slice %arg4[%dma_wait3A_374, %mul3A_2] : memref<64x4096xf32, #tpu.memory_space<hbm>> -> memref<64x128xf32, #tpu.memory_space<hbm>>
      %dma_wait3A_376 = arith.constant 0 : i32
      %dma_wait3A_377 = tpu.memref_slice %arg4[%dma_wait3A_376, %mul3A_2] : memref<64x4096xf32, #tpu.memory_space<hbm>> -> memref<64x128xf32, #tpu.memory_space<hbm>>
      tpu.wait_dma2 semaphore(%run_scoped3A : memref<!tpu.dma_semaphore, #tpu.memory_space<semaphore_mem>>) src(%arg7 : memref<64x128xf32, #tpu.memory_space<vmem>>) dst(%dma_wait3A_377 : memref<64x128xf32, #tpu.memory_space<hbm>>)
      tpu.yield
    }) : () -> ()
    return
  }
}

module attributes {stable_mosaic.version = 14 : i64} {
  func.func @_score_body(%arg0: i32, %arg1: memref<128x256xf32, #tpu.memory_space<vmem>>, %arg2: memref<64x256xf32, #tpu.memory_space<vmem>>, %arg3: memref<256x256xf32, #tpu.memory_space<vmem>>, %arg4: memref<1x256xf32, #tpu.memory_space<vmem>>, %arg5: memref<256x256xf32, #tpu.memory_space<vmem>>, %arg6: memref<1x256xf32, #tpu.memory_space<vmem>>, %arg7: memref<1x256xf32, #tpu.memory_space<vmem>>, %arg8: memref<128x64xf32, #tpu.memory_space<vmem>>) attributes {dimension_semantics = [#tpu.dimension_semantics<arbitrary>], iteration_bounds = array<i64: 1>, scalar_prefetch = 0 : i64, scratch_operands = 0 : i64, tpu.core_type = #tpu.core_type<tc>, window_params = [{transform_indices = @transform_0, window_bounds = array<i64: 128, 256>}, {pipeline_mode = #tpu.pipeline_mode<synchronous>, transform_indices = @transform_1, window_bounds = array<i64: 64, 256>}, {pipeline_mode = #tpu.pipeline_mode<synchronous>, transform_indices = @transform_2, window_bounds = array<i64: 256, 256>}, {pipeline_mode = #tpu.pipeline_mode<synchronous>, transform_indices = @transform_3, window_bounds = array<i64: 1, 256>}, {pipeline_mode = #tpu.pipeline_mode<synchronous>, transform_indices = @transform_4, window_bounds = array<i64: 256, 256>}, {pipeline_mode = #tpu.pipeline_mode<synchronous>, transform_indices = @transform_5, window_bounds = array<i64: 1, 256>}, {pipeline_mode = #tpu.pipeline_mode<synchronous>, transform_indices = @transform_6, window_bounds = array<i64: 1, 256>}, {transform_indices = @transform_7, window_bounds = array<i64: 128, 64>}]} {
    %get3A = arith.constant 0 : index
    %get3A_0 = arith.constant 0 : index
    %get3A_1 = vector.load %arg1[%get3A, %get3A_0] : memref<128x256xf32, #tpu.memory_space<vmem>>, vector<128x256xf32>
    %broadcast_in_dim3A = vector.shape_cast %get3A_1 : vector<128x256xf32> to vector<128x1x256xf32>
    %get3A_2 = arith.constant 0 : index
    %get3A_3 = arith.constant 0 : index
    %get3A_4 = vector.load %arg2[%get3A_2, %get3A_3] : memref<64x256xf32, #tpu.memory_space<vmem>>, vector<64x256xf32>
    %broadcast_in_dim3A_5 = vector.shape_cast %get3A_4 : vector<64x256xf32> to vector<1x64x256xf32>
    %add3A = vector.broadcast %broadcast_in_dim3A : vector<128x1x256xf32> to vector<128x64x256xf32>
    %add3A_6 = vector.broadcast %broadcast_in_dim3A_5 : vector<1x64x256xf32> to vector<128x64x256xf32>
    %add3A_7 = arith.addf %add3A, %add3A_6 : vector<128x64x256xf32>
    %reshape3A = vector.shape_cast %add3A_7 : vector<128x64x256xf32> to vector<8192x256xf32>
    %convert_element_type3A = arith.truncf %reshape3A : vector<8192x256xf32> to vector<8192x256xbf16>
    %get3A_8 = arith.constant 0 : index
    %get3A_9 = arith.constant 0 : index
    %get3A_10 = vector.load %arg3[%get3A_8, %get3A_9] : memref<256x256xf32, #tpu.memory_space<vmem>>, vector<256x256xf32>
    %convert_element_type3A_11 = arith.truncf %get3A_10 : vector<256x256xf32> to vector<256x256xbf16>
    %dot_general3A = arith.constant dense<0.000000e+00> : vector<8192x256xf32>
    %dot_general3A_12 = tpu.matmul %convert_element_type3A, %convert_element_type3A_11, %dot_general3A {dimension_numbers = #tpu.dot_dimension_numbers<[1], [0], [0], [1], [0, 0, 1, 1], [], []>, transpose_lhs_hint = false} : vector<8192x256xbf16>, vector<256x256xbf16>, vector<8192x256xf32> -> vector<8192x256xf32>
    %get3A_13 = arith.constant 0 : index
    %get3A_14 = arith.constant 0 : index
    %get3A_15 = vector.load %arg4[%get3A_13, %get3A_14] : memref<1x256xf32, #tpu.memory_space<vmem>>, vector<1x256xf32>
    %add3A_16 = vector.broadcast %get3A_15 : vector<1x256xf32> to vector<8192x256xf32>
    %add3A_17 = arith.addf %dot_general3A_12, %add3A_16 : vector<8192x256xf32>
    %max3A = arith.constant 0.000000e+00 : f32
    %max3A_18 = vector.broadcast %max3A : f32 to vector<8192x256xf32>
    %max3A_19 = arith.maximumf %add3A_17, %max3A_18 : vector<8192x256xf32>
    %convert_element_type3A_20 = arith.truncf %max3A_19 : vector<8192x256xf32> to vector<8192x256xbf16>
    %get3A_21 = arith.constant 0 : index
    %get3A_22 = arith.constant 0 : index
    %get3A_23 = vector.load %arg5[%get3A_21, %get3A_22] : memref<256x256xf32, #tpu.memory_space<vmem>>, vector<256x256xf32>
    %convert_element_type3A_24 = arith.truncf %get3A_23 : vector<256x256xf32> to vector<256x256xbf16>
    %dot_general3A_25 = arith.constant dense<0.000000e+00> : vector<8192x256xf32>
    %dot_general3A_26 = tpu.matmul %convert_element_type3A_20, %convert_element_type3A_24, %dot_general3A_25 {dimension_numbers = #tpu.dot_dimension_numbers<[1], [0], [0], [1], [0, 0, 1, 1], [], []>, transpose_lhs_hint = false} : vector<8192x256xbf16>, vector<256x256xbf16>, vector<8192x256xf32> -> vector<8192x256xf32>
    %get3A_27 = arith.constant 0 : index
    %get3A_28 = arith.constant 0 : index
    %get3A_29 = vector.load %arg6[%get3A_27, %get3A_28] : memref<1x256xf32, #tpu.memory_space<vmem>>, vector<1x256xf32>
    %add3A_30 = vector.broadcast %get3A_29 : vector<1x256xf32> to vector<8192x256xf32>
    %add3A_31 = arith.addf %dot_general3A_26, %add3A_30 : vector<8192x256xf32>
    %max3A_32 = arith.constant 0.000000e+00 : f32
    %max3A_33 = vector.broadcast %max3A_32 : f32 to vector<8192x256xf32>
    %max3A_34 = arith.maximumf %add3A_31, %max3A_33 : vector<8192x256xf32>
    %add3A_35 = arith.addf %max3A_34, %reshape3A : vector<8192x256xf32>
    %get3A_36 = arith.constant 0 : index
    %get3A_37 = arith.constant 0 : index
    %get3A_38 = vector.load %arg7[%get3A_36, %get3A_37] : memref<1x256xf32, #tpu.memory_space<vmem>>, vector<1x256xf32>
    %mul3A = vector.broadcast %get3A_38 : vector<1x256xf32> to vector<8192x256xf32>
    %mul3A_39 = arith.mulf %add3A_35, %mul3A : vector<8192x256xf32>
    %reduce_sum3A = arith.constant dense<0.000000e+00> : vector<8192xf32>
    %reduce_sum3A_40 = vector.multi_reduction <add>, %mul3A_39, %reduce_sum3A [1] : vector<8192x256xf32> to vector<8192xf32>
    %reshape3A_41 = vector.shape_cast %reduce_sum3A_40 : vector<8192xf32> to vector<128x64xf32>
    %swap3A = arith.constant 0 : index
    %swap3A_42 = arith.constant 0 : index
    %swap3A_43 = vector.load %arg8[%swap3A, %swap3A_42] : memref<128x64xf32, #tpu.memory_space<vmem>>, vector<128x64xf32>
    tpu.vector_store %arg8[%swap3A, %swap3A_42], %reshape3A_41 {strides = array<i32>} : memref<128x64xf32, #tpu.memory_space<vmem>>, vector<128x64xf32>,
    return
  }
  func.func @transform_0(%arg0: i32) -> (i32, i32) {
    %c0_i32 = arith.constant 0 : i32
    %c0_i32_0 = arith.constant 0 : i32
    return %arg0, %c0_i32 : i32, i32
  }
  func.func @transform_1(%arg0: i32) -> (i32, i32) {
    %c0_i32 = arith.constant 0 : i32
    %c0_i32_0 = arith.constant 0 : i32
    %c0_i32_1 = arith.constant 0 : i32
    return %c0_i32, %c0_i32_0 : i32, i32
  }
  func.func @transform_2(%arg0: i32) -> (i32, i32) {
    %c0_i32 = arith.constant 0 : i32
    %c0_i32_0 = arith.constant 0 : i32
    %c0_i32_1 = arith.constant 0 : i32
    return %c0_i32, %c0_i32_0 : i32, i32
  }
  func.func @transform_3(%arg0: i32) -> (i32, i32) {
    %c0_i32 = arith.constant 0 : i32
    %c0_i32_0 = arith.constant 0 : i32
    %c0_i32_1 = arith.constant 0 : i32
    return %c0_i32, %c0_i32_0 : i32, i32
  }
  func.func @transform_4(%arg0: i32) -> (i32, i32) {
    %c0_i32 = arith.constant 0 : i32
    %c0_i32_0 = arith.constant 0 : i32
    %c0_i32_1 = arith.constant 0 : i32
    return %c0_i32, %c0_i32_0 : i32, i32
  }
  func.func @transform_5(%arg0: i32) -> (i32, i32) {
    %c0_i32 = arith.constant 0 : i32
    %c0_i32_0 = arith.constant 0 : i32
    %c0_i32_1 = arith.constant 0 : i32
    return %c0_i32, %c0_i32_0 : i32, i32
  }
  func.func @transform_6(%arg0: i32) -> (i32, i32) {
    %c0_i32 = arith.constant 0 : i32
    %c0_i32_0 = arith.constant 0 : i32
    %c0_i32_1 = arith.constant 0 : i32
    return %c0_i32, %c0_i32_0 : i32, i32
  }
  func.func @transform_7(%arg0: i32) -> (i32, i32) {
    %c0_i32 = arith.constant 0 : i32
    %c0_i32_0 = arith.constant 0 : i32
    return %arg0, %c0_i32 : i32, i32
  }
}

</mosaic_0001>

<sc_bundles>
// kernel: kernel.4.cloned.1.call-start
scs
__scs_entry_jumppad:
0x0: {  	(pc) =	sbr.rel $0x88, $3  }
0x1: {  	(tag) =	ssettag $0x0;
	lr =	simm.s32 $0x1  }
0x2: {  	[smem:$0x3F99] =	sst lr;
	_ =	strace $0xD0000000  }
0x3: {  	_ = 	snop  }
0x4: {  	_ = 	snop  }
0x5: {  	_ = 	snop  }
0x6: {  	_ = 	snop  }
0x7: {  	_ = 	snop  }
__scs_overlays_trampoline_lowered:
0x8: {  	[smem:$0x3FA8] =	sst s0  }
0x9: {  	[smem:$0x3FA9] =	sst s1  }
0xa: {  	[smem:$0x3FAA] =	sst s2  }
0xb: {  	[smem:$0x3FAB] =	sst s3  }
0xc: {  	[smem:$0x3FAC] =	sst s4  }
0xd: {  	[smem:$0x3FAD] =	sst s5  }
0xe: {  	[smem:$0x3FAE] =	sst s6  }
0xf: {  	[smem:$0x3FAF] =	sst s7  }
0x10: {  	[smem:$0x3FB0] =	sst s8  }
0x11: {  	[smem:$0x3FB1] =	sst s9;
	s0 =	simm.s32 @!p0 $0x0  }
0x12: {  	s1 =	sld [smem:$0x3F97];
	s0 =	simm.s32 @p0 $0x1  }
0x13: {  	[smem:$0x3FB2] =	sst s0;
	s0 =	simm.s32 @!p1 $0x0  }
0x14: {  	s2 =	sld [smem:$0x3F96];
	s0 =	simm.s32 @p1 $0x1  }
0x15: {  	[smem:$0x3FB3] =	sst s0;
	s0 =	simm.s32 @!p2 $0x0  }
0x16: {  	s3 =	sld [smem:$0x3FDB];
	s0 =	simm.s32 @p2 $0x1  }
0x17: {  	s4 =	simm.s32 $0x1BF5;
	[smem:$0x3FB5] =	sst s0  }
0x18: {  	s0 =	sld [smem:$0x3F98];
	_ =	swait.ge [sflag:s4], $0x0  }
0x19: {  	s7 =	sld [smem:$0x3F99]  }
0x1a: {  	s8 =	sadd.s32 $0xFFFFE003, lr  }
0x1b: {  	s9 =	sadd.s32 $0xFFFFFEF7, lr;
	s5 =	simm.s32 $0xFFFFFFFF;
	p2 =	slt.u32 s8, $0xFFFFF086  }
0x1c: {  	p1 =	slt.u32 s9, $0xF7A;
	s5 =	simm.s32 @!p2 $0x0  }
0x1d: {  	s5 =	simm.s32 @p1 $0x1;
	p0 =	seq.s32 s7, s2  }
0x1e: {  	s7 =	smul.u32 @!p0 $0xF7A, s2;
	p2 =	seq.s32 @!p0 s5, $0x0  }
0x1f: {  	s9 =	smul.u32 $0xF7A, s1;
	s8 =	simm.s32 @!p0 $0x1BF5;
	p2 =	por !p2, p0  }
0x20: {  	[sflag:s8] =	ssyncset.s32 @!p0 $0xFFFFF086;
	s6 =	sadd.s32 @!p0 s3, s7;
	s7 =	simm.s32 @!p0 $0x108  }
0x21: {  	s3 =	sadd.s32 s3, s9;
	s6 =	sadd.s32 @!p0 $0x88, s6;
	s7 =	simm.s32 @p2 $0x1082  }
0x22: {  	[simem:s7], [sflag:s8] =	dma.local @!p0 [hbm:s6], $0xF7A  }
0x23: {  	s9 =	sor.u32 $0xD0000000, s2;
	s6 =	simm.s32 $0x108;
	_ =	swait.ge @!p0 [sflag:s8], $0x0  }
0x24: {  	s3 =	sadd.s32 $0x88, s3;
	s6 =	simm.s32 @!p1 $0x1082;
	[sflag:s4] =	ssyncset.s32 $0xFFFFF086  }
0x25: {  	[simem:s6], [sflag:s4] =	dma.local [hbm:s3], $0xF7A  }
0x26: {  	[smem:$0x3F99] =	sst s1;
	(tag) =	ssettag s2;
	_ =	strace s9  }
0x27: {  	s1 =	sld [smem:$0x3FA9]  }
0x28: {  	s2 =	sld [smem:$0x3FAA]  }
0x29: {  	s4 =	sld [smem:$0x3FAC]  }
0x2a: {  	p0 =	seq.s32 s5, $0x0;
	s5 =	sld [smem:$0x3FAD]  }
0x2b: {  	s6 =	sld [smem:$0x3FAE]  }
0x2c: {  	s7 =	sld [smem:$0x3FAF]  }
0x2d: {  	s3 =	simm.s32 $0x108;
	s8 =	sld [smem:$0x3FB0]  }
0x2e: {  	s3 =	simm.s32 @!p0 $0x1082;
	s9 =	sld [smem:$0x3FB1]  }
0x2f: {  	lr =	sadd.s32 s0, s3;
	s0 =	sld [smem:$0x3FA8]  }
0x30: {  	s3 =	sld [smem:$0x3FAB]  }
0x31: {  	[smem:$0x3FB4] =	sst s10  }
0x32: {  	s10 =	sld [smem:$0x3FB2];
	_ =	sdelay $0x3  }
0x33: {  	p0 =	seq.s32 s10, $0x1;
	s10 =	sld [smem:$0x3FB4];
	_ =	sdelay $0x3  }
0x34: {  	[smem:$0x3FB4] =	sst s10  }
0x35: {  	s10 =	sld [smem:$0x3FB3];
	_ =	sdelay $0x3  }
0x36: {  	p1 =	seq.s32 s10, $0x1;
	s10 =	sld [smem:$0x3FB4];
	_ =	sdelay $0x3  }
0x37: {  	[smem:$0x3FB4] =	sst s10  }
0x38: {  	s10 =	sld [smem:$0x3FB5]  }
0x39: {  	_ = 	snop;
	(pc) =	sbr.ind lr, $3  }
0x3a: {  	_ = 	snop  }
0x3b: {  	_ = 	snop  }
0x3c: {  	p2 =	seq.s32 s10, $0x1;
	s10 =	sld [smem:$0x3FB4]  }
0x3d: {  	_ =	shalt  }
0x3e: {  	_ =	shalt  }
0x3f: {  	_ =	shalt  }
0x40: {  	_ =	shalt  }
0x41: {  	_ =	shalt  }
0x42: {  	_ =	shalt  }
0x43: {  	_ =	shalt  }
0x44: {  	_ =	shalt  }
0x45: {  	_ =	shalt  }
0x46: {  	_ =	shalt  }
0x47: {  	_ =	shalt  }
0x48: {  	_ =	shalt  }
0x49: {  	_ =	shalt  }
0x4a: {  	_ =	shalt  }
0x4b: {  	_ =	shalt  }
0x4c: {  	_ =	shalt  }
0x4d: {  	_ =	shalt  }
0x4e: {  	_ =	shalt  }
0x4f: {  	_ =	shalt  }
0x50: {  	_ =	shalt  }
0x51: {  	_ =	shalt  }
0x52: {  	_ =	shalt  }
0x53: {  	_ =	shalt  }
0x54: {  	_ =	shalt  }
0x55: {  	_ =	shalt  }
0x56: {  	_ =	shalt  }
0x57: {  	_ =	shalt  }
0x58: {  	_ =	shalt  }
0x59: {  	_ =	shalt  }
0x5a: {  	_ =	shalt  }
0x5b: {  	_ =	shalt  }
0x5c: {  	_ =	shalt  }
0x5d: {  	_ =	shalt  }
0x5e: {  	_ =	shalt  }
0x5f: {  	_ =	shalt  }
0x60: {  	_ =	shalt  }
0x61: {  	_ =	shalt  }
0x62: {  	_ =	shalt  }
0x63: {  	_ =	shalt  }
0x64: {  	_ =	shalt  }
0x65: {  	_ =	shalt  }
0x66: {  	_ =	shalt  }
0x67: {  	_ =	shalt  }
0x68: {  	_ =	shalt  }
0x69: {  	_ =	shalt  }
0x6a: {  	_ =	shalt  }
0x6b: {  	_ =	shalt  }
0x6c: {  	_ =	shalt  }
0x6d: {  	_ =	shalt  }
0x6e: {  	_ =	shalt  }
0x6f: {  	_ =	shalt  }
0x70: {  	_ =	shalt  }
0x71: {  	_ =	shalt  }
0x72: {  	_ =	shalt  }
0x73: {  	_ =	shalt  }
0x74: {  	_ =	shalt  }
0x75: {  	_ =	shalt  }
0x76: {  	_ =	shalt  }
0x77: {  	_ =	shalt  }
0x78: {  	_ =	shalt  }
0x79: {  	_ =	shalt  }
0x7a: {  	_ =	shalt  }
0x7b: {  	_ =	shalt  }
0x7c: {  	_ =	shalt  }
0x7d: {  	_ =	shalt  }
0x7e: {  	_ =	shalt  }
0x7f: {  	_ =	shalt  }
0x80: {  	_ =	shalt  }
0x81: {  	_ =	shalt  }
0x82: {  	_ =	shalt  }
0x83: {  	_ =	shalt  }
0x84: {  	_ =	shalt  }
0x85: {  	_ =	shalt  }
0x86: {  	_ =	shalt  }
0x87: {  	_ =	shalt  }
.Lfunc_end0:
.L_simem_size_0:
called_computation_lowered:
.L_overlay_start_0:
0x88: {  	s2 =	sld [smem:$0x3FD9]  }
0x89: {  	s3 =	sld [smem:$0x3FFE];
	_ =	sdelay $0x1  }
0x8a: {  	s1 =	srdreg.scid  }
0x8b: {  	s0 =	sand.u32 $0x1, s1  }
0x8c: {  	s17 =	sshll.u32 s0, $0xA;
	s2 =	sadd.s32 s3, s2  }
0x8d: {  	s2 =	sadd.s32 s2, s17  }
0x8e: {  	[smem:$0x3FC0] =	sst s2  }
0x8f: {  	_ = 	snop  }
0x90: {  	s2 =	sld [smem:$0x3FC9]  }
0x91: {  	s18 =	sld [smem:$0x3FD0];
	(tm) =	ssettm $0x1  }
0x92: {  	s4 =	sld [smem:$0x3FFB];
	_ =	sdelay $0x3  }
0x93: {  	_ =	strace s4  }
0x94: {  	s4 =	sld [smem:$0x3FFC];
	_ =	sdelay $0x3  }
0x95: {  	_ =	strace s4  }
0x96: {  	s4 =	sld [smem:$0x3FFD];
	_ =	sdelay $0x3  }
0x97: {  	_ =	strace s4  }
0x98: {  	_ =	strace $0x8FFFFFFF  }
0x99: {  	s19 =	sld [smem:$0x3FDB];
	_ =	sdelay $0x1  }
0x9a: {  	s5 =	simm.s32 $_scs_section_size  }
0x9b: {  	s6 =	simm.s32 $_size__tile_overlayer_lowered;
	s7 =	simm.s32 $_tile_overlayer_lowered  }
0x9c: {  	s22 =	simm.s32 $0x1BFF;
	s21 =	sshll.u32 s7, $0x1;
	s4 =	sadd.s32 s5, s19  }
0x9d: {  	s8 =	simm.s32 $0x0;
	s20 =	sshll.u32 s6, $0x1;
	s6 =	sadd.s32 s21, s4  }
0x9e: {  	[timem:s8], [sflag:s22] =	dma.local [hbm:s6], s20  }
0x9f: {  	_ =	swait.ge [sflag:s22], s20  }
0xa0: {  	s5 =	ssub.s32 $0x0, s20;
	[sflag:s22] =	ssyncset.done $0x0  }
0xa1: {  	[sflag:s22] =	ssyncadd.s32 s5;
	_ =	sdelay $0x1  }
0xa2: {  	s23 =	simm.s32 $0x1B8B  }
0xa3: {  	_ =	swait.ge [sflag:s23], $0x1  }
0xa4: {  	[sflag:s23] =	ssyncset.done $0x0  }
0xa5: {  	s25 =	simm.s32 $0x1B8E;
	s24 =	sld [smem:$0x3FFE];
	[sflag:s23] =	ssyncadd.s32 $0xFFFFFFFF  }
0xa6: {  	s26 =	simm.s32 $execute0_lowered;
	[smem:$0x3FD2] =	sst s25  }
0xa7: {  	s6 =	sshll.u32 s26, $0x1;
	_ =	strace $0x80000046;
	[dreg:$0x1] =	wrdreg $0xFFFFFFFF  }
0xa8: {  	s28 =	simm.s32 $_size_execute0_lowered;
	s4 =	sadd.s32 s4, s6;
	[dreg:$0x0] =	wrdreg $0x0  }
0xa9: {  	s6 =	sshll.u32 s28, $0x1;
	[dreg:$0x2] =	wrdreg s4  }
0xaa: {  	[dreg:$0x3] =	wrdreg s6  }
0xab: {  	[dreg:$0x4] =	wrdreg $0xC0  }
0xac: {  	_ =	task [dreg:s8], $0x5FFFF  }
0xad: {  	[dreg:$0x1] =	wrdreg $0xFFFFFFFF  }
0xae: {  	[dreg:$0x0] =	wrdreg $0x60  }
0xaf: {  	[dreg:$0x2] =	wrdreg s24  }
0xb0: {  	[dreg:$0x3] =	wrdreg s2  }
0xb1: {  	[dreg:$0x4] =	wrdreg s18  }
0xb2: {  	[dreg:$0x5] =	wrdreg $0x9  }
0xb3: {  	_ =	task.clear_ibuf [dreg:s8], $0x6FFFF;
	_ =	strace $0x90000046  }
0xb4: {  	s29 =	simm.s32 $0x9;
	_ =	strace $0x80000048  }
0xb5: {  	_ =	swait.ge [sflag:s29], $0x1  }
0xb6: {  	[sflag:s29] =	ssyncadd.s32 $0xFFFFFFFF  }
0xb7: {  	_ =	strace $0x90000048  }
0xb8: {  	_ =	sfence  }
0xb9: {  	s30 =	sld [smem:$0x0];
	_ =	sdelay $0x2  }
0xba: {  	s31 =	sshll.u32 s1, $0xD;
	s1 =	sshrl.u32 s1, $0x2  }
0xbb: {  	s3 =	sand.u32 $0x4000, s31;
	s1 =	sadd.s32 s1, s30  }
0xbc: {  	s0 =	sor.u32 s3, s0;
	s1 =	sshll.u32 s1, $0x11  }
0xbd: {  	s0 =	sor.u32 s1, s0  }
0xbe: {  	s0 =	sadd.s32 $0x8F2B, s0  }
0xbf: {  	[sflag:s0] =	ssyncadd.remote.s32 $0x1  }
0xc0: {  	_ =	sfence.sel $0xFFFF  }
0xc1: {  	[dreg:$0x0] =	wrdreg $0xFFFFFFFF;
	(pc) =	sbr.abs _section_cstart, $3  }
0xc2: {  	[dreg:$0x1] =	wrdreg $0xFFFFFFFF  }
0xc3: {  	_ =	task.clear_ibuf [dreg:s8], $0x2FFFF;
	_ =	strace $0x9FFFFFFF  }
0xc4: {  	(tm) =	ssettm $0x7FFFFFFF  }
0xc5: {  	_ =	shalt  }
tec
execute0_lowered:
.L_overlay_start_1:
0x0: {  	(tag) =	ssettag $0x1  }
0x1: {  	s3 =	rddreg [dreg:$0x0]  }
0x2: {  	s4 =	rddreg [dreg:$0x1]  }
0x3: {  	s5 =	rddreg [dreg:$0x2]  }
0x4: {  	s0 =	rddreg [dreg:$0x3]  }
0x5: {  	s2 =	simm.s32 $0x0;
	s6 =	srdreg.scid;
	s1 =	stileid.u32  }
0x6: {  	s10 =	simm.s32 $0x1;
	s11 =	simm.s32 $0x2;
	s12 =	simm.s32 $0x6000  }
0x7: {  	s13 =	simm.s32 $0x3;
	s14 =	simm.s32 $0x0;
	[smem:$0x7FF] =	sst s2  }
0x8: {  	s6 =	sand.u32 $0x1, s6;
	s8 =	sshll.u32 s1, $0x8;
	s3 =	sadd.s32 $0x1400, s3  }
0x9: {  	_ =	strace $0x80000047;
	s7 =	ssub.s32 $0x2, s6;
	s6 =	sshll.u32 s6, $0x7  }
0xa: {  	s9 =	sshrl.u32 s7, $0x1;
	s6 =	sor.u32 s6, s8;
	s8 =	simm.s32 $0x8000  }
0xb: {  	s7 =	ssub.s32 s7, s9;
	s4 =	sadd.s32 s4, s6;
	s5 =	sadd.s32 s5, s6  }
0xc: {  	s9 =	simm.s32 $0x4000;
	s6 =	smax.u32 s7, $0x1;
	s7 =	simm.s32 $0x400  }
.LBB2_1:
0xd: {  	[tilespmem:s2], [sflag:$0x1] =	stream.linear.gather [hbm4b:s3+s2], $0x4000, $0x38;
	[tilespmem:$0x8000] =	vst v63  }
0xe: {  	_ = 	snop  }
0xf: {  	[tilespmem:s9], [sflag:$0x2] =	stream.strided.gather [hbm4b:s4+s7], $0x2000, s8, s7, $0x38;
	[tilespmem:$0x8000] =	vst v63  }
0x10: {  	_ =	swait.ge [sflag:s10], $0x4000  }
0x11: {  	[sflag:s10] =	ssyncset.done $0x0  }
0x12: {  	[sflag:s10] =	ssyncadd.s32 $0xFFFFC000  }
0x13: {  	_ =	swait.ge [sflag:s11], $0x2000  }
0x14: {  	[sflag:s11] =	ssyncset.done $0x0  }
0x15: {  	s18 =	simm.s32 $0x0;
	[sflag:s11] =	ssyncadd.s32 $0xFFFFE000  }
0x16: {  	v0 =	vld [tilespmem:s18+$0x4000];
	_ =	sdelay $0x4  }
0x17: {  	v1 =	vshll.u32 v0, $0x1  }
0x18: {  	v2 =	vld [tilespmem:s18+$0x4010];
	v0 =	vand.u32 $0x3F, v0;
	v1 =	vand.u32 $0xFFFFFF80, v1  }
0x19: {  	v0 =	vor.u32 v0, v1;
	_ =	sdelay $0x3  }
0x1a: {  	v3 =	vld [tilespmem:s18+$0x4020];
	v1 =	vshll.u32 v2, $0x1  }
0x1b: {  	v2 =	vand.u32 $0x3F, v2;
	v1 =	vand.u32 $0xFFFFFF80, v1;
	v0 =	vld.idx.msk [tilespmem:v0+s2+$0x0], $0xffff  }
0x1c: {  	v1 =	vor.u32 v2, v1  }
0x1d: {  	s15 =	simm.s32 $0x80  }
0x1e: {  	v2 =	vld [tilespmem:s15+$0x4000];
	_ =	sdelay $0x1  }
0x1f: {  	v5 =	vld [tilespmem:s18+$0x4030];
	v4 =	vshll.u32 v3, $0x1;
	[tilespmem:s18+$0x6000] =	vst v0  }
0x20: {  	v3 =	vand.u32 $0x3F, v3;
	v4 =	vand.u32 $0xFFFFFF80, v4;
	v1 =	vld.idx.msk [tilespmem:v1+s2+$0x0], $0xffff  }
0x21: {  	v3 =	vor.u32 v3, v4  }
0x22: {  	v4 =	vshll.u32 v2, $0x1  }
0x23: {  	v6 =	vld [tilespmem:s15+$0x4010];
	v2 =	vand.u32 $0x3F, v2;
	v4 =	vand.u32 $0xFFFFFF80, v4  }
0x24: {  	v2 =	vor.u32 v2, v4  }
0x25: {  	v7 =	vld [tilespmem:s18+$0x4040];
	v4 =	vshll.u32 v5, $0x1;
	[tilespmem:s18+$0x6010] =	vst v1  }
0x26: {  	v5 =	vand.u32 $0x3F, v5;
	v4 =	vand.u32 $0xFFFFFF80, v4;
	v3 =	vld.idx.msk [tilespmem:v3+s2+$0x0], $0xffff  }
0x27: {  	v4 =	vor.u32 v5, v4  }
0x28: {  	v5 =	vshll.u32 v6, $0x1  }
0x29: {  	v0 =	vmul.f32 $1.442695020e+00, v0;
	v6 =	vand.u32 $0x3F, v6;
	v5 =	vand.u32 $0xFFFFFF80, v5;
	v2 =	vld.idx.msk [tilespmem:v2+s2+$0x0], $0xffff  }
0x2a: {  	v8 =	vld [tilespmem:s15+$0x4020];
	v5 =	vor.u32 v6, v5  }
0x2b: {  	(erf) = vpow2.f32 v0;
	v6 =	vshll.u32 v7, $0x1;
	[tilespmem:s18+$0x6020] =	vst v3  }
0x2c: {  	v7 =	vand.u32 $0x3F, v7;
	v6 =	vand.u32 $0xFFFFFF80, v6;
	v0 =	vmul.f32 $1.442695020e+00, v1;
	v4 =	vld.idx.msk [tilespmem:v4+s2+$0x0], $0xffff  }
0x2d: {  	s16 =	simm.s32 $0x100;
	v6 =	vor.u32 v7, v6;
	v1 =	vld [tilespmem:s18+$0x4050];
	v3 =	vmul.f32 $1.442695020e+00, v3  }
0x2e: {  	(erf) = vpow2.f32 v0;
	v0 =	vld [tilespmem:s16+$0x4000];
	[tilespmem:s15+$0x6000] =	vst v2  }
0x2f: {  	(erf) = vpow2.f32 v3;
	v3 =	vld.idx.msk [tilespmem:v5+s2+$0x0], $0xffff;
	v5 =	vshll.u32 v8, $0x1  }
0x30: {  	v7 =	vand.u32 $0x3F, v8;
	v2 =	vmul.f32 $1.442695020e+00, v2;
	v5 =	vand.u32 $0xFFFFFF80, v5  }
0x31: {  	v8 =	vld [tilespmem:s15+$0x4030];
	v5 =	vor.u32 v7, v5;
	[tilespmem:s18+$0x6030] =	vst v4  }
0x32: {  	(erf) = vpow2.f32 v2;
	v4 =	vmul.f32 $1.442695020e+00, v4;
	v2 =	vld.idx.msk [tilespmem:v6+s2+$0x0], $0xffff;
	v6 =	vshll.u32 v1, $0x1  }
0x33: {  	v7 =	vld [tilespmem:s18+$0x4060];
	v1 =	vand.u32 $0x3F, v1;
	v6 =	vand.u32 $0xFFFFFF80, v6  }
0x34: {  	(erf) = vpow2.f32 v4;
	v4 =	vshll.u32 v0, $0x1;
	v1 =	vor.u32 v1, v6  }
0x35: {  	v10 =	vld [tilespmem:s16+$0x4010];
	[tilespmem:s15+$0x6010] =	vst v3;
	v6 =	vand.u32 $0x3F, v0;
	v4 =	vand.u32 $0xFFFFFF80, v4  }
0x36: {  	v3 =	vmul.f32 $1.442695020e+00, v3;
	v5 =	vld.idx.msk [tilespmem:v5+s2+$0x0], $0xffff;
	v4 =	vor.u32 v6, v4;
	v6 =	vshll.u32 v8, $0x1  }
0x37: {  	v11 =	vld [tilespmem:s15+$0x4040];
	v9 =	vpop (erf);
	v0 =	vimm.f32 $0.0e+00;
	v8 =	vand.u32 $0x3F, v8;
	v6 =	vand.u32 $0xFFFFFF80, v6  }
0x38: {  	v14 =	vld [tilespmem:s16+$0x4020];
	v12 =	vpop (erf);
	(erf) = vpow2.f32 v3;
	[tilespmem:s18+$0x6040] =	vst v2;
	v6 =	vor.u32 v8, v6;
	v8 =	vshll.u32 v7, $0x1  }
0x39: {  	v2 =	vmul.f32 $1.442695020e+00, v2;
	v7 =	vand.u32 $0x3F, v7;
	v8 =	vand.u32 $0xFFFFFF80, v8;
	v1 =	vld.idx.msk [tilespmem:v1+s2+$0x0], $0xffff  }
0x3a: {  	v9 =	vadd.f32 v9, v0;
	v12 =	vadd.f32 v12, v0;
	v3 =	vor.u32 v7, v8;
	v7 =	vld [tilespmem:s18+$0x4070]  }
0x3b: {  	v13 =	vpop (erf);
	(erf) = vpow2.f32 v2;
	[tilespmem:s15+$0x6020] =	vst v5;
	v5 =	vmul.f32 $1.442695020e+00, v5;
	v2 =	vld.idx.msk [tilespmem:v4+s2+$0x0], $0xffff;
	v4 =	vshll.u32 v10, $0x1  }
0x3c: {  	v13 =	vadd.f32 v13, v0;
	v10 =	vand.u32 $0x3F, v10;
	v8 =	vpop (erf);
	v4 =	vand.u32 $0xFFFFFF80, v4  }
0x3d: {  	v16 =	vld [tilespmem:s15+$0x4050];
	(erf) = vpow2.f32 v5;
	v15 =	vpop (erf);
	v4 =	vor.u32 v10, v4;
	v10 =	vshll.u32 v11, $0x1  }
0x3e: {  	v6 =	vld.idx.msk [tilespmem:v6+s2+$0x0], $0xffff;
	v11 =	vand.u32 $0x3F, v11;
	v15 =	vadd.f32 v15, v0;
	v10 =	vand.u32 $0xFFFFFF80, v10  }
0x3f: {  	v17 =	vmul.f32 $1.442695020e+00, v1;
	[tilespmem:s18+$0x6050] =	vst v1;
	v10 =	vor.u32 v11, v10;
	v1 =	vshll.u32 v7, $0x1  }
0x40: {  	s17 =	simm.s32 $0x180;
	v5 =	vand.u32 $0x3F, v7;
	v7 =	vshll.u32 v14, $0x1;
	v3 =	vld.idx.msk [tilespmem:v3+s2+$0x0], $0xffff;
	v1 =	vand.u32 $0xFFFFFF80, v1  }
0x41: {  	v11 =	vld [tilespmem:s17+$0x4000];
	[tilespmem:s16+$0x6000] =	vst v2;
	v2 =	vmul.f32 $1.442695020e+00, v2;
	v7 =	vand.u32 $0xFFFFFF80, v7;
	v5 =	vor.u32 v5, v1  }
0x42: {  	(erf) = vpow2.f32 v17;
	v1 =	vadd.f32 v8, v9;
	v8 =	vand.u32 $0x3F, v14;
	v4 =	vld.idx.msk [tilespmem:v4+s2+$0x0], $0xffff  }
0x43: {  	v9 =	vld [tilespmem:s16+$0x4030];
	[tilespmem:s15+$0x6030] =	vst v6;
	v6 =	vmul.f32 $1.442695020e+00, v6;
	v8 =	vor.u32 v8, v7;
	v7 =	vshll.u32 v16, $0x1  }
0x44: {  	v14 =	vpop (erf);
	(erf) = vpow2.f32 v2;
	v2 =	vand.u32 $0x3F, v16;
	v16 =	vand.u32 $0xFFFFFF80, v7;
	v10 =	vld.idx.msk [tilespmem:v10+s2+$0x0], $0xffff  }
0x45: {  	v7 =	vadd.f32 v14, v12;
	v12 =	vpop (erf);
	v14 =	vld [tilespmem:s15+$0x4060];
	v16 =	vor.u32 v2, v16;
	(erf) = vpow2.f32 v6;
	[tilespmem:s18+$0x6060] =	vst v3  }
0x46: {  	v2 =	vadd.f32 v12, v0;
	v3 =	vmul.f32 $1.442695020e+00, v3;
	v17 =	vld.idx.msk [tilespmem:v5+s2+$0x0], $0xffff;
	v5 =	vshll.u32 v11, $0x1  }
0x47: {  	v19 =	vld [tilespmem:s16+$0x4040];
	v6 =	vand.u32 $0x3F, v11;
	v5 =	vand.u32 $0xFFFFFF80, v5;
	v11 =	vmul.f32 $1.442695020e+00, v4  }
0x48: {  	v12 =	vld [tilespmem:s17+$0x4010];
	[tilespmem:s16+$0x6010] =	vst v4;
	(erf) = vpow2.f32 v3;
	v4 =	vor.u32 v6, v5;
	v5 =	vshll.u32 v9, $0x1  }
0x49: {  	v3 =	vand.u32 $0x3F, v9;
	v18 =	vld.idx.msk [tilespmem:v8+s2+$0x0], $0xffff;
	v5 =	vand.u32 $0xFFFFFF80, v5;
	v6 =	vmul.f32 $1.442695020e+00, v10;
	[tilespmem:s15+$0x6040] =	vst v10  }
0x4a: {  	v9 =	vpop (erf);
	(erf) = vpow2.f32 v11;
	v10 =	vor.u32 v3, v5;
	v3 =	vshll.u32 v14, $0x1;
	v11 =	vld.idx.msk [tilespmem:v16+s2+$0x0], $0xffff  }
0x4b: {  	v8 =	vand.u32 $0x3F, v14;
	v3 =	vand.u32 $0xFFFFFF80, v3;
	v14 =	vmul.f32 $1.442695020e+00, v17  }
0x4c: {  	v21 =	vld [tilespmem:s15+$0x4070];
	v5 =	vpop (erf);
	v20 =	vor.u32 v8, v3;
	(erf) = vpow2.f32 v6;
	v3 =	vadd.f32 v9, v13  }
0x4d: {  	v6 =	vadd.f32 v5, v0;
	v5 =	vshll.u32 v12, $0x1;
	(erf) = vpow2.f32 v14  }
0x4e: {  	v9 =	vand.u32 $0x3F, v12;
	v8 =	vpop (erf);
	v4 =	vld.idx.msk [tilespmem:v4+s2+$0x0], $0xffff;
	v12 =	vmul.f32 $1.442695020e+00, v18;
	v5 =	vand.u32 $0xFFFFFF80, v5  }
0x4f: {  	v13 =	vld [tilespmem:s17+$0x4020];
	[tilespmem:s16+$0x6020] =	vst v18;
	v14 =	vpop (erf);
	v16 =	vor.u32 v9, v5;
	v9 =	vshll.u32 v19, $0x1;
	v18 =	vmul.f32 $1.442695020e+00, v11  }
0x50: {  	v10 =	vld.idx.msk [tilespmem:v10+s2+$0x0], $0xffff;
	v5 =	vadd.f32 v14, v15;
	v14 =	vand.u32 $0x3F, v19;
	v9 =	vand.u32 $0xFFFFFF80, v9  }
0x51: {  	[tilespmem:s15+$0x6050] =	vst v11;
	v11 =	vld [tilespmem:s16+$0x4050];
	(erf) = vpow2.f32 v12;
	v12 =	vshll.u32 v21, $0x1;
	v15 =	vor.u32 v14, v9  }
0x52: {  	[tilespmem:s18+$0x6070] =	vst v17;
	s18 =	simm.s32 $0x200;
	v19 =	vpop (erf);
	v9 =	vld.idx.msk [tilespmem:v20+s2+$0x0], $0xffff;
	v14 =	vand.u32 $0x3F, v21;
	v20 =	vand.u32 $0xFFFFFF80, v12;
	(erf) = vpow2.f32 v18  }
0x53: {  	s19 =	simm.s32 $0xA00;
	v18 =	vld [tilespmem:s18+$0x4000];
	[tilespmem:s17+$0x6000] =	vst v4;
	v12 =	vmul.f32 $1.442695020e+00, v4;
	v17 =	vpop (erf);
	v14 =	vor.u32 v14, v20;
	v4 =	vadd.f32 v19, v0  }
.LBB2_2:
0x54: {  	p0 =	sne.s32 s19, $0x7E00;
	v16 =	vld.idx.msk [tilespmem:v16+s2+$0x0], $0xffff;
	v20 =	vshll.u32 v13, $0x1;
	v1 =	vadd.f32 v8, v1;
	v7 =	vadd.f32 v17, v7  }
0x55: {  	v8 =	vand.u32 $0x3F, v13;
	v13 =	vand.u32 $0xFFFFFF80, v20;
	v17 =	vld [tilespmem:s17+$0x4030];
	[tilespmem:s16+$0x6030] =	vst v10;
	v10 =	vmul.f32 $1.442695020e+00, v10;
	v19 =	vpop (erf)  }
0x56: {  	v8 =	vor.u32 v8, v13;
	(erf) = vpow2.f32 v12;
	v12 =	vld.idx.msk [tilespmem:v15+s2+$0x0], $0xffff;
	v13 =	vshll.u32 v11, $0x1;
	v15 =	vpop (erf)  }
0x57: {  	v11 =	vand.u32 $0x3F, v11;
	v13 =	vand.u32 $0xFFFFFF80, v13;
	v20 =	vld [tilespmem:s16+$0x4060];
	[tilespmem:s15+$0x6060] =	vst v9;
	v0 =	vadd.f32 v15, v0  }
0x58: {  	v9 =	vmul.f32 $1.442695020e+00, v9;
	v11 =	vor.u32 v11, v13;
	(erf) = vpow2.f32 v10;
	v10 =	vld.idx.msk [tilespmem:v14+s2+$0x0], $0xffff  }
0x59: {  	v2 =	vadd.f32 v19, v2;
	v13 =	vshll.u32 v18, $0x1  }
0x5a: {  	v14 =	vand.u32 $0x3F, v18;
	v13 =	vand.u32 $0xFFFFFF80, v13;
	v15 =	vld [tilespmem:s18+$0x4010];
	[tilespmem:s17+$0x6010] =	vst v16;
	v16 =	vmul.f32 $1.442695020e+00, v16;
	v18 =	vpop (erf)  }
0x5b: {  	v13 =	vor.u32 v14, v13;
	v14 =	vld.idx.msk [tilespmem:v8+s2+$0x0], $0xffff;
	v8 =	vshll.u32 v17, $0x1;
	v19 =	vpop (erf);
	(erf) = vpow2.f32 v9  }
0x5c: {  	v9 =	vand.u32 $0x3F, v17;
	v8 =	vand.u32 $0xFFFFFF80, v8;
	v17 =	vld [tilespmem:s17+$0x4040];
	[tilespmem:s16+$0x6040] =	vst v12;
	v12 =	vmul.f32 $1.442695020e+00, v12  }
0x5d: {  	v22 =	vshll.u32 v20, $0x1;
	v9 =	vor.u32 v9, v8;
	(erf) = vpow2.f32 v16;
	v21 =	vld.idx.msk [tilespmem:v11+s2+$0x0], $0xffff  }
0x5e: {  	v11 =	vand.u32 $0x3F, v20;
	v16 =	vand.u32 $0xFFFFFF80, v22;
	[tilespmem:s15+$0x6070] =	vst v10;
	v10 =	vmul.f32 $1.442695020e+00, v10;
	s15 =	smov.u32 s16;
	s16 =	smov.u32 s17;
	s17 =	smov.u32 s18  }
0x5f: {  	v6 =	vadd.f32 v19, v6;
	v20 =	vor.u32 v11, v16;
	v8 =	vpop (erf);
	v22 =	vld [tilespmem:s15+$0x4070];
	(erf) = vpow2.f32 v12  }
0x60: {  	v3 =	vadd.f32 v18, v3;
	v11 =	vshll.u32 v15, $0x1;
	v12 =	vld.idx.msk [tilespmem:v13+s2+$0x0], $0xffff;
	(erf) = vpow2.f32 v10  }
0x61: {  	v10 =	vand.u32 $0x3F, v15;
	v11 =	vand.u32 $0xFFFFFF80, v11;
	v13 =	vld [tilespmem:s17+$0x4020];
	[tilespmem:s16+$0x6020] =	vst v14;
	v14 =	vmul.f32 $1.442695020e+00, v14;
	v15 =	vpop (erf)  }
.Ltmp0:
0x62: {  	v16 =	vor.u32 v10, v11;
	v10 =	vld.idx.msk [tilespmem:v9+s2+$0x0], $0xffff;
	v9 =	vshll.u32 v17, $0x1;
	v5 =	vadd.f32 v15, v5;
	(pc) =	sbr.rel @p0 .LBB2_2-.Ltmp0, $4  }
0x63: {  	v15 =	vand.u32 $0x3F, v17;
	v9 =	vand.u32 $0xFFFFFF80, v9;
	v11 =	vld [tilespmem:s16+$0x4050];
	[tilespmem:s15+$0x6050] =	vst v21;
	v21 =	vmul.f32 $1.442695020e+00, v21  }
0x64: {  	v15 =	vor.u32 v15, v9;
	(erf) = vpow2.f32 v14;
	v9 =	vld.idx.msk [tilespmem:v20+s2+$0x0], $0xffff;
	v14 =	vshll.u32 v22, $0x1;
	v19 =	vpop (erf)  }
0x65: {  	s18 =	sshra.s32 s19, $0x2;
	v20 =	vand.u32 $0x3F, v22;
	v14 =	vand.u32 $0xFFFFFF80, v14;
	(erf) = vpow2.f32 v21  }
0x66: {  	s19 =	sadd.s32 $0x200, s19;
	v4 =	vadd.f32 v19, v4;
	v18 =	vld [tilespmem:s18+$0x4000];
	[tilespmem:s17+$0x6000] =	vst v12;
	v12 =	vmul.f32 $1.442695020e+00, v12;
	v17 =	vpop (erf);
	v14 =	vor.u32 v20, v14  }
0x67: {  	_ =	sdelay $0x2  }
0x68: {  	v20 =	vld [tilespmem:s18+$0x4010]  }
0x69: {  	v16 =	vld.idx.msk [tilespmem:v16+s2+$0x0], $0xffff;
	v19 =	vshll.u32 v18, $0x1  }
0x6a: {  	v21 =	vld [tilespmem:s17+$0x4030];
	v33 =	vand.u32 $0x3F, v18;
	v19 =	vand.u32 $0xFFFFFF80, v19  }
0x6b: {  	v22 =	vld [tilespmem:s18+$0x4020];
	v18 =	vor.u32 v33, v19  }
0x6c: {  	v23 =	vld [tilespmem:s16+$0x4060]  }
0x6d: {  	v34 =	vshll.u32 v13, $0x1;
	v24 =	vld [tilespmem:s17+$0x4040]  }
0x6e: {  	v13 =	vand.u32 $0x3F, v13;
	v25 =	vld [tilespmem:s18+$0x4030];
	v8 =	vadd.f32 v8, v1;
	v7 =	vadd.f32 v17, v7  }
0x6f: {  	[tilespmem:s16+$0x6030] =	vst v10;
	v10 =	vmul.f32 $1.442695020e+00, v10;
	v41 =	vld [tilespmem:s16+$0x4070];
	v35 =	vshll.u32 v20, $0x1;
	v19 =	vand.u32 $0xFFFFFF80, v34  }
0x70: {  	v20 =	vand.u32 $0x3F, v20;
	v13 =	vor.u32 v13, v19;
	v19 =	vand.u32 $0xFFFFFF80, v35;
	v18 =	vld.idx.msk [tilespmem:v18+s2+$0x0], $0xffff  }
0x71: {  	v46 =	vld [tilespmem:s18+$0x4040];
	(erf) = vpow2.f32 v12;
	[tilespmem:s15+$0x6060] =	vst v9;
	v9 =	vmul.f32 $1.442695020e+00, v9;
	v19 =	vor.u32 v20, v19  }
0x72: {  	v51 =	vld [tilespmem:s17+$0x4060];
	v36 =	vshll.u32 v11, $0x1;
	v11 =	vand.u32 $0x3F, v11;
	v45 =	vpop (erf);
	(erf) = vpow2.f32 v10  }
0x73: {  	v54 =	vld [tilespmem:s18+$0x4050];
	v2 =	vadd.f32 v45, v2;
	(erf) = vpow2.f32 v9;
	v37 =	vshll.u32 v21, $0x1  }
0x74: {  	v15 =	vld.idx.msk [tilespmem:v15+s2+$0x0], $0xffff;
	[tilespmem:s17+$0x6010] =	vst v16;
	v21 =	vand.u32 $0x3F, v21;
	v38 =	vshll.u32 v22, $0x1;
	v20 =	vand.u32 $0xFFFFFF80, v36  }
0x75: {  	v22 =	vand.u32 $0x3F, v22;
	v11 =	vor.u32 v11, v20;
	v20 =	vand.u32 $0xFFFFFF80, v37;
	v13 =	vld.idx.msk [tilespmem:v13+s2+$0x0], $0xffff;
	[tilespmem:s18+$0x6000] =	vst v18  }
0x76: {  	v39 =	vshll.u32 v23, $0x1;
	v20 =	vor.u32 v21, v20;
	v21 =	vand.u32 $0xFFFFFF80, v38;
	v19 =	vld.idx.msk [tilespmem:v19+s2+$0x0], $0xffff  }
0x77: {  	v1 =	vld.idx.msk [tilespmem:v14+s2+$0x0], $0xffff;
	v40 =	vand.u32 $0x3F, v23;
	v42 =	vshll.u32 v24, $0x1;
	v14 =	vor.u32 v22, v21  }
0x78: {  	v62 =	vld [tilespmem:s18+$0x4060];
	v10 =	vpop (erf);
	v43 =	vand.u32 $0x3F, v24;
	v44 =	vshll.u32 v25, $0x1;
	v25 =	vand.u32 $0x3F, v25  }
0x79: {  	v12 =	vld [tilespmem:s17+$0x4050];
	v16 =	vmul.f32 $1.442695020e+00, v16;
	v10 =	vadd.f32 v10, v0;
	v47 =	vshll.u32 v41, $0x1;
	[tilespmem:s16+$0x6040] =	vst v15  }
0x7a: {  	v48 =	vand.u32 $0x3F, v41;
	v53 =	vand.u32 $0x3F, v46;
	v17 =	vand.u32 $0xFFFFFF80, v39;
	v11 =	vld.idx.msk [tilespmem:v11+s2+$0x0], $0xffff;
	[tilespmem:s17+$0x6020] =	vst v13  }
0x7b: {  	v55 =	vand.u32 $0x3F, v51;
	v23 =	vand.u32 $0xFFFFFF80, v42;
	v17 =	vor.u32 v40, v17;
	v20 =	vld.idx.msk [tilespmem:v20+s2+$0x0], $0xffff;
	[tilespmem:s18+$0x6010] =	vst v19  }
0x7c: {  	v57 =	vshll.u32 v54, $0x1;
	v21 =	vor.u32 v43, v23;
	v23 =	vand.u32 $0xFFFFFF80, v44;
	v14 =	vld.idx.msk [tilespmem:v14+s2+$0x0], $0xffff  }
0x7d: {  	v60 =	vand.u32 $0x3F, v54;
	v31 =	vshll.u32 v62, $0x1;
	v33 =	vld [tilespmem:s18+$0x4070];
	v23 =	vor.u32 v25, v23  }
0x7e: {  	v0 =	vmul.f32 $1.442695020e+00, v15;
	v49 =	vshll.u32 v12, $0x1;
	v12 =	vand.u32 $0x3F, v12  }
0x7f: {  	(erf) = vpow2.f32 v16;
	v16 =	vand.u32 $0xFFFFFF80, v47;
	v9 =	vmul.f32 $1.442695020e+00, v1;
	[tilespmem:s16+$0x6050] =	vst v11  }
0x80: {  	v50 =	vand.u32 $0xFFFFFF80, v49;
	(erf) = vpow2.f32 v0;
	v0 =	vshll.u32 v46, $0x1;
	v15 =	vld.idx.msk [tilespmem:v17+s2+$0x0], $0xffff;
	[tilespmem:s17+$0x6030] =	vst v20  }
0x81: {  	v16 =	vor.u32 v48, v16;
	v12 =	vor.u32 v12, v50;
	v0 =	vand.u32 $0xFFFFFF80, v0;
	v21 =	vld.idx.msk [tilespmem:v21+s2+$0x0], $0xffff;
	[tilespmem:s18+$0x6020] =	vst v14  }
0x82: {  	(erf) = vpow2.f32 v9;
	v35 =	vshll.u32 v33, $0x1;
	v13 =	vmul.f32 $1.442695020e+00, v13;
	v52 =	vld.idx.msk [tilespmem:v23+s2+$0x0], $0xffff  }
0x83: {  	v37 =	vand.u32 $0x3F, v33;
	v9 =	vpop (erf);
	v11 =	vmul.f32 $1.442695020e+00, v11;
	v23 =	vor.u32 v53, v0  }
0x84: {  	v3 =	vadd.f32 v9, v3;
	(erf) = vpow2.f32 v13;
	v13 =	vmul.f32 $1.442695020e+00, v18;
	v0 =	vpop (erf)  }
0x85: {  	v56 =	vld [tilespmem:s17+$0x4070];
	[tilespmem:s16+$0x6060] =	vst v15;
	(erf) = vpow2.f32 v11;
	v11 =	vmul.f32 $1.442695020e+00, v20;
	v6 =	vadd.f32 v0, v6  }
0x86: {  	[tilespmem:s17+$0x6040] =	vst v21;
	v0 =	vld.idx.msk [tilespmem:v16+s2+$0x0], $0xffff;
	(erf) = vpow2.f32 v13;
	v13 =	vmul.f32 $1.442695020e+00, v15;
	v15 =	vshll.u32 v51, $0x1  }
0x87: {  	v14 =	vmul.f32 $1.442695020e+00, v14;
	v20 =	vand.u32 $0xFFFFFF80, v57;
	v12 =	vld.idx.msk [tilespmem:v12+s2+$0x0], $0xffff;
	v58 =	vpop (erf);
	v15 =	vand.u32 $0xFFFFFF80, v15;
	[tilespmem:s18+$0x6030] =	vst v52  }
0x88: {  	v20 =	vor.u32 v60, v20;
	v61 =	vpop (erf);
	(erf) = vpow2.f32 v11;
	v15 =	vor.u32 v55, v15;
	v59 =	vld.idx.msk [tilespmem:v23+s2+$0x0], $0xffff  }
0x89: {  	v11 =	vmul.f32 $1.442695020e+00, v19;
	v8 =	vadd.f32 v58, v8;
	v19 =	vand.u32 $0x3F, v62;
	v9 =	vpop (erf)  }
0x8a: {  	(erf) = vpow2.f32 v13;
	v13 =	vmul.f32 $1.442695020e+00, v21;
	v5 =	vadd.f32 v61, v5;
	v63 =	vpop (erf)  }
0x8b: {  	(erf) = vpow2.f32 v11;
	v4 =	vadd.f32 v9, v4;
	v28 =	vpop (erf);
	v11 =	vmul.f32 $1.442695020e+00, v0  }
0x8c: {  	(erf) = vpow2.f32 v13;
	v13 =	vshll.u32 v56, $0x1;
	v17 =	vmul.f32 $1.442695020e+00, v52;
	[tilespmem:s17+$0x6050] =	vst v12;
	v29 =	vpop (erf)  }
0x8d: {  	v13 =	vand.u32 $0xFFFFFF80, v13;
	v30 =	vpop (erf);
	(erf) = vpow2.f32 v11;
	v11 =	vld.idx.msk [tilespmem:v15+s2+$0x0], $0xffff;
	v15 =	vand.u32 $0x3F, v56;
	[tilespmem:s18+$0x6040] =	vst v59  }
0x8e: {  	v12 =	vmul.f32 $1.442695020e+00, v12;
	v13 =	vor.u32 v15, v13;
	v32 =	vpop (erf);
	v15 =	vld.idx.msk [tilespmem:v20+s2+$0x0], $0xffff;
	v20 =	vand.u32 $0xFFFFFF80, v31  }
0x8f: {  	v7 =	vadd.f32 v63, v7;
	(erf) = vpow2.f32 v14;
	v34 =	vpop (erf);
	v14 =	vor.u32 v19, v20  }
0x90: {  	v9 =	vadd.f32 v29, v10;
	(erf) = vpow2.f32 v12;
	v8 =	vadd.f32 v34, v8  }
0x91: {  	v10 =	vadd.f32 v28, v2;
	v3 =	vadd.f32 v30, v3;
	(erf) = vpow2.f32 v17  }
0x92: {  	v6 =	vadd.f32 v32, v6;
	v17 =	vand.u32 $0xFFFFFF80, v35;
	[tilespmem:s17+$0x6060] =	vst v11;
	v12 =	vand.u32 $0x7FFFFF, v8  }
0x93: {  	v16 =	vmul.f32 $1.442695020e+00, v59;
	v8 =	vshrl.u32 v8, $0x17;
	v2 =	vld.idx.msk [tilespmem:v13+s2+$0x0], $0xffff;
	v13 =	vpop (erf);
	v12 =	vor.u32 $0x3F800000, v12;
	[tilespmem:s18+$0x6050] =	vst v15  }
0x94: {  	v8 =	vadd.s32 $0xFFFFFF81, v8;
	v36 =	vpop (erf);
	v38 =	vmul.f32 $2.482560650e-02, v12;
	v13 =	vadd.f32 v13, v5;
	v14 =	vld.idx.msk [tilespmem:v14+s2+$0x0], $0xffff  }
0x95: {  	v5 =	vmul.f32 $1.442695020e+00, v11;
	v11 =	vor.u32 v37, v17;
	v39 =	vpop (erf);
	v4 =	vadd.f32 v36, v4  }
0x96: {  	v8 =	vcvt.s32.f32 v8;
	v40 =	vpop (erf);
	v41 =	vsub.f32 $2.668588160e-01, v38;
	v7 =	vadd.f32 v39, v7  }
0x97: {  	(erf) = vpow2.f32 v5;
	v15 =	vmul.f32 $1.442695020e+00, v15;
	v42 =	vpop (erf);
	v10 =	vadd.f32 v40, v10  }
0x98: {  	v5 =	vmul.f32 $1.442695020e+00, v2;
	v9 =	vadd.f32 v42, v9;
	v43 =	vpop (erf);
	v44 =	vmul.f32 v12, v41  }
0x99: {  	(erf) = vpow2.f32 v16;
	v45 =	vpop (erf);
	v19 =	vadd.f32 v43, v3;
	v3 =	vand.u32 $0x7FFFFF, v7;
	[tilespmem:s18+$0x6060] =	vst v14  }
0x9a: {  	(erf) = vpow2.f32 v5;
	v46 =	vpop (erf);
	v3 =	vor.u32 $0x3F800000, v3;
	v5 =	vld.idx.msk [tilespmem:v11+s2+$0x0], $0xffff;
	v11 =	vadd.f32 $-1.234263180e+00, v44  }
0x9b: {  	v13 =	vadd.f32 v46, v13;
	v47 =	vmul.f32 $2.482560650e-02, v3;
	v14 =	vmul.f32 $1.442695020e+00, v14  }
0x9c: {  	(erf) = vpow2.f32 v15;
	v15 =	vand.u32 $0x7FFFFF, v19;
	v11 =	vmul.f32 v12, v11  }
0x9d: {  	v15 =	vor.u32 $0x3F800000, v15;
	(erf) = vpow2.f32 v14;
	v14 =	vsub.f32 $2.668588160e-01, v47  }
0x9e: {  	v7 =	vshrl.u32 v7, $0x17;
	v48 =	vmul.f32 $2.482560650e-02, v15;
	v11 =	vadd.f32 $3.218832730e+00, v11  }
0x9f: {  	v6 =	vadd.f32 v45, v6;
	v20 =	vand.u32 $0x7FFFFF, v13;
	v14 =	vmul.f32 v3, v14  }
0xa0: {  	v20 =	vor.u32 $0x3F800000, v20;
	v16 =	vsub.f32 $2.668588160e-01, v48;
	v11 =	vmul.f32 v12, v11  }
0xa1: {  	v7 =	vadd.s32 $0xFFFFFF81, v7;
	v51 =	vmul.f32 $2.482560650e-02, v20;
	v14 =	vadd.f32 $-1.234263180e+00, v14  }
0xa2: {  	v50 =	vpop (erf);
	v16 =	vmul.f32 v15, v16;
	v49 =	vmul.f32 $1.442695020e+00, v5;
	v11 =	vadd.f32 $-5.264110570e+00, v11  }
0xa3: {  	v7 =	vcvt.s32.f32 v7;
	v52 =	vpop (erf);
	v17 =	vsub.f32 $2.668588160e-01, v51;
	v14 =	vmul.f32 v3, v14  }
0xa4: {  	v53 =	vpop (erf);
	v16 =	vadd.f32 $-1.234263180e+00, v16;
	(erf) = vpow2.f32 v49;
	v11 =	vmul.f32 v12, v11  }
0xa5: {  	v4 =	vadd.f32 v50, v4;
	v17 =	vmul.f32 v20, v17;
	v54 =	vpop (erf);
	v14 =	vadd.f32 $3.218832730e+00, v14  }
0xa6: {  	v10 =	vadd.f32 v52, v10;
	v16 =	vmul.f32 v15, v16;
	v55 =	vpop (erf);
	v11 =	vadd.f32 $6.065830230e+00, v11  }
0xa7: {  	v18 =	vadd.f32 v55, v4;
	v4 =	vmul.f32 v3, v14;
	v14 =	vadd.f32 $-1.234263180e+00, v17  }
0xa8: {  	v6 =	vadd.f32 v54, v6;
	v11 =	vmul.f32 v12, v11;
	v12 =	vadd.f32 $3.218832730e+00, v16  }
0xa9: {  	v9 =	vadd.f32 v53, v9;
	v4 =	vadd.f32 $-5.264110570e+00, v4;
	v14 =	vmul.f32 v20, v14  }
0xaa: {  	v57 =	vand.u32 $0x7FFFFF, v6;
	v11 =	vadd.f32 $-3.028317450e+00, v11;
	v12 =	vmul.f32 v15, v12  }
0xab: {  	v17 =	vor.u32 $0x3F800000, v57;
	v4 =	vmul.f32 v3, v4;
	v14 =	vadd.f32 $3.218832730e+00, v14  }
0xac: {  	v59 =	vmul.f32 $2.482560650e-02, v17;
	v8 =	vadd.f32 v8, v11;
	v11 =	vadd.f32 $-5.264110570e+00, v12  }
0xad: {  	v56 =	vpop (erf);
	v4 =	vadd.f32 $6.065830230e+00, v4;
	v12 =	vmul.f32 v20, v14;
	v14 =	vand.u32 $0x7FFFFF, v10  }
0xae: {  	v9 =	vadd.f32 v56, v9;
	v14 =	vor.u32 $0x3F800000, v14;
	v11 =	vmul.f32 v15, v11  }
0xaf: {  	v3 =	vmul.f32 v3, v4;
	v4 =	vadd.f32 $-5.264110570e+00, v12;
	v12 =	vmul.f32 $2.482560650e-02, v14  }
0xb0: {  	v58 =	vand.u32 $0x7FFFFF, v18;
	v16 =	vand.u32 $0x7FFFFF, v9;
	v11 =	vadd.f32 $6.065830230e+00, v11  }
0xb1: {  	v21 =	vor.u32 $0x3F800000, v58;
	v16 =	vor.u32 $0x3F800000, v16;
	v12 =	vsub.f32 $2.668588160e-01, v12  }
0xb2: {  	v3 =	vadd.f32 $-3.028317450e+00, v3;
	v11 =	vmul.f32 v15, v11;
	v15 =	vmul.f32 $2.482560650e-02, v16  }
0xb3: {  	v60 =	vmul.f32 $2.482560650e-02, v21;
	v12 =	vmul.f32 v14, v12  }
0xb4: {  	v4 =	vmul.f32 v20, v4;
	v7 =	vadd.f32 v7, v3;
	v15 =	vsub.f32 $2.668588160e-01, v15  }
0xb5: {  	v3 =	vmul.f32 $6.931471820e-01, v8;
	v8 =	vsub.f32 $2.668588160e-01, v60;
	v12 =	vadd.f32 $-1.234263180e+00, v12  }
0xb6: {  	v4 =	vadd.f32 $6.065830230e+00, v4;
	v15 =	vmul.f32 v16, v15  }
0xb7: {  	v22 =	vsub.f32 $2.668588160e-01, v59;
	v8 =	vmul.f32 v21, v8;
	v12 =	vmul.f32 v14, v12  }
0xb8: {  	v20 =	vmul.f32 v20, v4;
	v4 =	vmul.f32 $6.931471820e-01, v7;
	v15 =	vadd.f32 $-1.234263180e+00, v15  }
0xb9: {  	v8 =	vadd.f32 $-1.234263180e+00, v8;
	v7 =	vadd.f32 $3.218832730e+00, v12;
	v12 =	vmul.f32 v17, v22  }
0xba: {  	v19 =	vshrl.u32 v19, $0x17;
	v15 =	vmul.f32 v16, v15  }
0xbb: {  	v8 =	vmul.f32 v21, v8;
	v7 =	vmul.f32 v14, v7;
	v12 =	vadd.f32 $-1.234263180e+00, v12  }
0xbc: {  	v19 =	vadd.s32 $0xFFFFFF81, v19;
	v13 =	vshrl.u32 v13, $0x17;
	v15 =	vadd.f32 $3.218832730e+00, v15  }
0xbd: {  	v8 =	vadd.f32 $3.218832730e+00, v8;
	v7 =	vadd.f32 $-5.264110570e+00, v7;
	v12 =	vmul.f32 v17, v12  }
0xbe: {  	v19 =	vcvt.s32.f32 v19;
	v13 =	vadd.s32 $0xFFFFFF81, v13;
	v15 =	vmul.f32 v16, v15  }
0xbf: {  	v8 =	vmul.f32 v21, v8;
	v7 =	vmul.f32 v14, v7;
	v12 =	vadd.f32 $3.218832730e+00, v12  }
0xc0: {  	[tilespmem:s15+$0x6070] =	vst v1;
	v13 =	vcvt.s32.f32 v13;
	v1 =	vshrl.u32 v10, $0x17;
	v15 =	vadd.f32 $-5.264110570e+00, v15  }
0xc1: {  	v8 =	vadd.f32 $-5.264110570e+00, v8;
	v7 =	vadd.f32 $6.065830230e+00, v7;
	v12 =	vmul.f32 v17, v12  }
0xc2: {  	[tilespmem:s16+$0x6070] =	vst v0;
	v0 =	vadd.s32 $0xFFFFFF81, v1;
	v11 =	vadd.f32 $-3.028317450e+00, v11;
	v15 =	vmul.f32 v16, v15  }
0xc3: {  	[tilespmem:s17+$0x6070] =	vst v2;
	v2 =	vmul.f32 v21, v8;
	v7 =	vmul.f32 v14, v7;
	v12 =	vadd.f32 $-5.264110570e+00, v12  }
0xc4: {  	[tilespmem:s18+$0x6070] =	vst v5;
	v5 =	vshrl.u32 v6, $0x17;
	v20 =	vadd.f32 $-3.028317450e+00, v20;
	v10 =	vadd.f32 $6.065830230e+00, v15  }
0xc5: {  	v2 =	vadd.f32 $6.065830230e+00, v2;
	v1 =	vadd.f32 $-3.028317450e+00, v7;
	v7 =	vmul.f32 v17, v12  }
0xc6: {  	v13 =	vadd.f32 v13, v20;
	v8 =	vshrl.u32 v9, $0x17;
	v9 =	vmul.f32 v16, v10  }
0xc7: {  	v2 =	vmul.f32 v21, v2;
	v6 =	vadd.f32 $6.065830230e+00, v7;
	v7 =	vadd.s32 $0xFFFFFF81, v8  }
0xc8: {  	s15 =	simm.s32 $0x0;
	v10 =	vcvt.s32.f32 v0;
	v7 =	vcvt.s32.f32 v7;
	v8 =	vadd.f32 $-3.028317450e+00, v9  }
0xc9: {  	v12 =	vld [tilespmem:s15+$0x6070];
	v0 =	vadd.s32 $0xFFFFFF81, v5;
	v5 =	vmul.f32 v17, v6;
	v6 =	vshrl.u32 v18, $0x17  }
0xca: {  	v14 =	vld [tilespmem:s15+$0x6000];
	v61 =	vcvt.s32.f32 v0;
	v0 =	vadd.s32 $0xFFFFFF81, v6;
	v7 =	vadd.f32 v7, v8  }
0xcb: {  	v15 =	vld [tilespmem:s15+$0x6010];
	v2 =	vadd.f32 $-3.028317450e+00, v2;
	v5 =	vadd.f32 $-3.028317450e+00, v5;
	v6 =	vcvt.s32.f32 v0  }
0xcc: {  	v11 =	vadd.f32 v19, v11;
	v62 =	vadd.f32 v10, v1;
	v8 =	vld [tilespmem:s15+$0x6020];
	v7 =	vmul.f32 $6.931471820e-01, v7  }
0xcd: {  	v9 =	vld [tilespmem:s15+$0x6030];
	v1 =	vmul.f32 $6.931471820e-01, v13;
	v5 =	vadd.f32 v61, v5;
	v13 =	vadd.f32 v6, v2  }
0xce: {  	v10 =	vld [tilespmem:s15+$0x6040];
	v0 =	vmul.f32 $6.931471820e-01, v11;
	v63 =	vsub.f32 v12, v7  }
0xcf: {  	v11 =	vld [tilespmem:s15+$0x6050];
	v2 =	vmul.f32 $6.931471820e-01, v5;
	v5 =	vmul.f32 $6.931471820e-01, v13;
	v13 =	vsub.f32 v14, v3  }
0xd0: {  	s16 =	simm.s32 $0x80;
	s17 =	simm.s32 $0x400;
	v6 =	vmul.f32 $6.931471820e-01, v62;
	v12 =	vld [tilespmem:s15+$0x6060];
	v14 =	vsub.f32 v15, v4;
	[tilespmem:s15+$0x6070] =	vst v63  }
.LBB2_4:
0xd1: {  	p0 =	sne.s32 s17, $0x7E00;
	v15 =	vld [tilespmem:s16+$0x6070];
	[tilespmem:s15+$0x6000] =	vst v13;
	v8 =	vsub.f32 v8, v0  }
0xd2: {  	v13 =	vld [tilespmem:s16+$0x6000];
	[tilespmem:s15+$0x6010] =	vst v14;
	v9 =	vsub.f32 v9, v1  }
0xd3: {  	v14 =	vld [tilespmem:s16+$0x6010];
	[tilespmem:s15+$0x6020] =	vst v8;
	v10 =	vsub.f32 v10, v6  }
.Ltmp1:
0xd4: {  	v8 =	vld [tilespmem:s16+$0x6020];
	[tilespmem:s15+$0x6030] =	vst v9;
	v11 =	vsub.f32 v11, v2;
	(pc) =	sbr.rel @p0 .LBB2_4-.Ltmp1, $4  }
0xd5: {  	v9 =	vld [tilespmem:s16+$0x6030];
	[tilespmem:s15+$0x6040] =	vst v10;
	v12 =	vsub.f32 v12, v5  }
0xd6: {  	v10 =	vld [tilespmem:s16+$0x6040];
	v15 =	vsub.f32 v15, v7;
	[tilespmem:s15+$0x6050] =	vst v11  }
0xd7: {  	v13 =	vsub.f32 v13, v3;
	v11 =	vld [tilespmem:s16+$0x6050];
	[tilespmem:s15+$0x6060] =	vst v12;
	s15 =	smov.u32 s16  }
0xd8: {  	s16 =	sshra.s32 s17, $0x2;
	s17 =	sadd.s32 $0x200, s17;
	v14 =	vsub.f32 v14, v4;
	v12 =	vld [tilespmem:s15+$0x6060];
	[tilespmem:s15+$0x6070] =	vst v15  }
0xd9: {  	v15 =	vld [tilespmem:s16+$0x6070];
	[tilespmem:s15+$0x6000] =	vst v13;
	v8 =	vsub.f32 v8, v0  }
0xda: {  	v49 =	vld [tilespmem:s16+$0x6000];
	[tilespmem:s15+$0x6010] =	vst v14;
	v9 =	vsub.f32 v9, v1  }
0xdb: {  	v50 =	vld [tilespmem:s16+$0x6010];
	[tilespmem:s15+$0x6020] =	vst v8;
	v51 =	vsub.f32 v10, v6  }
0xdc: {  	v52 =	vld [tilespmem:s16+$0x6020];
	[tilespmem:s15+$0x6030] =	vst v9;
	v53 =	vsub.f32 v11, v2  }
0xdd: {  	v54 =	vld [tilespmem:s16+$0x6030];
	[tilespmem:s15+$0x6040] =	vst v51;
	v55 =	vsub.f32 v12, v5  }
0xde: {  	v56 =	vld [tilespmem:s16+$0x6040];
	v7 =	vsub.f32 v15, v7;
	[tilespmem:s15+$0x6050] =	vst v53  }
0xdf: {  	v57 =	vld [tilespmem:s16+$0x6050];
	v3 =	vsub.f32 v49, v3;
	[tilespmem:s15+$0x6060] =	vst v55  }
0xe0: {  	v58 =	vld [tilespmem:s16+$0x6060];
	v4 =	vsub.f32 v50, v4;
	[tilespmem:s16+$0x6070] =	vst v7  }
0xe1: {  	v59 =	vsub.f32 v52, v0;
	[tilespmem:s16+$0x6000] =	vst v3  }
0xe2: {  	v60 =	vsub.f32 v54, v1;
	[tilespmem:s16+$0x6010] =	vst v4  }
0xe3: {  	v61 =	vsub.f32 v56, v6;
	[tilespmem:s16+$0x6020] =	vst v59  }
0xe4: {  	v62 =	vsub.f32 v57, v2;
	[tilespmem:s16+$0x6030] =	vst v60  }
0xe5: {  	s14 =	sadd.s32 $0x1, s14;
	v63 =	vsub.f32 v58, v5;
	[tilespmem:s16+$0x6040] =	vst v61  }
0xe6: {  	p0 =	sne.s32 s14, s6;
	[tilespmem:s16+$0x6050] =	vst v62  }
.Ltmp2:
0xe7: {  	[tilespmem:s16+$0x6060] =	vst v63;
	(pc) =	sbr.rel @p0 .LBB2_1-.Ltmp2, $4  }
0xe8: {  	[hbm4b:s5+s7] =	stream.strided.scatter [tilespmem:s12], [sflag:$0x3], $0x2000, s8, s7, $0x38;
	[tilespmem:$0x8000] =	vst v63  }
0xe9: {  	_ =	swait.ge [sflag:s13], $0x2000  }
0xea: {  	[sflag:s13] =	ssyncset.done $0x0  }
0xeb: {  	[sflag:s13] =	ssyncadd.s32 $0xFFFFE000  }
0xec: {  	_ =	sfence.sel $0x180000  }
0xed: {  	[bflag:$0x0] =	sbarrier.arrive $0xFFFF  }
0xee: {  	p0 =	sne.s32 s1, $0x0;
	_ =	strace $0x90000047  }
0xef: {  	s0 =	sadd.s32 @!p0 $0x100000, s0;
	[bflag:$0x2] =	sbarrier.arrive $0xFFFF  }
0xf0: {  	[sflag:s0] =	ssyncadd.tile.s32 @!p0 $0x1;
	_ =	shalt  }
.Lfunc_end2:
_tile_overlayer_lowered:
.L_overlay_start_2:
0xf1: {  	(tag) =	ssettag $0x2  }
0xf2: {  	s0 =	rddreg [dreg:$0x0];
	s2 =	stileid.u32  }
0xf3: {  	s1 =	rddreg [dreg:$0x1];
	p0 =	sne.s32 s2, $0x0  }
0xf4: {  	s3 =	rddreg [dreg:$0x2];
	[bflag:$0x3] =	sbarrier.arrive $0xFFFF;
	s2 =	simm.s32 @!p0 $0x1C03  }
0xf5: {  	[timem:s3], [sflag:s2] =	dma.local @!p0 [hbm:s0], s1  }
0xf6: {  	s0 =	simm.s32 @!p0 $0x3  }
0xf7: {  	_ =	swait.ge @!p0 [sflag:s0], s1  }
0xf8: {  	s1 =	ssub.s32 @!p0 $0x0, s1;
	[sflag:s0] =	ssyncset.done @!p0 $0x0  }
0xf9: {  	[sflag:s0] =	ssyncadd.s32 @!p0 s1  }
0xfa: {  	[bflag:$0x3] =	sbarrier.arrive $0xFFFF  }
0xfb: {  	_ =	shalt  }

</sc_bundles>
